<compile_context>
chip_gen: v7x
topology: tpu7x:2x2x1
jax: 0.10.2.dev20260603
libtpu: 0.0.44.dev20260713+nightly
codegen_flags: <defaults>
</compile_context>

<pallas_src>
import functools

import jax
import jax.numpy as jnp
from jax import lax
from jax.experimental import pallas as pl
from jax.experimental.pallas import tpu as pltpu
from jax.experimental.pallas import tpu_sc as plsc

CUTOFF = 0.5
NC = 2
NS = 16
NW = NC * NS

C = 3200
GROUPS = C // 16


def _edge_body(n_chunks, x_hbm, y_hbm, z_hbm, src_hbm, dst_hbm,
               vx_hbm, vy_hbm, vz_hbm, dist_hbm, sw_hbm, *scr):
    x_sp, y_sp, z_sp = scr[0:3]
    idx_s = (scr[3], scr[5])
    idx_d = (scr[4], scr[6])
    comp = (scr[7:13], scr[13:19])
    outs = (scr[19:24], scr[24:29])
    sem_idx = scr[29:31]
    sem_g = scr[31:33]
    sem_o = scr[33:35]

    cid = lax.axis_index("c")
    sid = lax.axis_index("s")
    wid = sid * NC + cid

    @pl.when(sid == 0)
    def _():
        pltpu.sync_copy(x_hbm, x_sp)
        pltpu.sync_copy(y_hbm, y_sp)
        pltpu.sync_copy(z_hbm, z_sp)

    plsc.subcore_barrier()

    n_mine = (n_chunks // NW) + jnp.where(wid < (n_chunks % NW), 1, 0)

    def ebase_of(t):
        return (t * NW + wid) * C

    def fire_idx(t, p):
        eb = ebase_of(t)
        pltpu.async_copy(src_hbm.at[pl.ds(eb, C)], idx_s[p], sem_idx[p])
        pltpu.async_copy(dst_hbm.at[pl.ds(eb, C)], idx_d[p], sem_idx[p])

    def drain_idx(p):
        pltpu.make_async_copy(src_hbm.at[pl.ds(0, C)], idx_s[p], sem_idx[p]).wait()
        pltpu.make_async_copy(dst_hbm.at[pl.ds(0, C)], idx_d[p], sem_idx[p]).wait()

    def fire_gathers(p):
        sxb, syb, szb, dxb, dyb, dzb = comp[p]
        pltpu.async_copy(x_sp.at[idx_s[p]], sxb, sem_g[p])
        pltpu.async_copy(y_sp.at[idx_s[p]], syb, sem_g[p])
        pltpu.async_copy(z_sp.at[idx_s[p]], szb, sem_g[p])
        pltpu.async_copy(x_sp.at[idx_d[p]], dxb, sem_g[p])
        pltpu.async_copy(y_sp.at[idx_d[p]], dyb, sem_g[p])
        pltpu.async_copy(z_sp.at[idx_d[p]], dzb, sem_g[p])

    def drain_gathers(p):
        sxb, syb, szb, dxb, dyb, dzb = comp[p]
        for sp, ix, b in ((x_sp, idx_s[p], sxb), (y_sp, idx_s[p], syb),
                          (z_sp, idx_s[p], szb), (x_sp, idx_d[p], dxb),
                          (y_sp, idx_d[p], dyb), (z_sp, idx_d[p], dzb)):
            pltpu.make_async_copy(sp.at[ix], b, sem_g[p]).wait()

    def compute_store(p):
        sxb, syb, szb, dxb, dyb, dzb = comp[p]
        vxo, vyo, vzo, dout, sout = outs[p]

        def grp(j, carry2):
            e16 = pl.ds(j * 16, 16)
            vx = dxb[e16] - sxb[e16]
            vy = dyb[e16] - syb[e16]
            vz = dzb[e16] - szb[e16]
            n2 = vx * vx + vy * vy + vz * vz
            n2c = jnp.maximum(n2, 1e-30)
            ib = 0x5F3759DF - (plsc.bitcast(n2c, jnp.int32) >> 1)
            y = plsc.bitcast(ib, jnp.float32)
            y = y * (1.5 - 0.5 * n2c * y * y)
            y = y * (1.5 - 0.5 * n2c * y * y)
            y = y * (1.5 - 0.5 * n2c * y * y)
            dist = n2 * y
            m = dist < CUTOFF
            xc = jnp.minimum(dist * (1.0 / CUTOFF), 1.0)
            t_ = (xc - 0.5) * 3.14159265358979
            t2 = t_ * t_
            q = 1.0 / 362880.0
            q = q * t2 - 1.0 / 5040.0
            q = q * t2 + 1.0 / 120.0
            q = q * t2 - 1.0 / 6.0
            q = q * t2 + 1.0
            s = 0.5 - 0.5 * (t_ * q)
            sw = jnp.where(m, s, 0.0)
            vxo[e16] = vx
            vyo[e16] = vy
            vzo[e16] = vz
            dout[e16] = dist
            sout[e16] = sw
            return carry2

        lax.fori_loop(0, GROUPS, grp, 0)

    def fire_outs(t, p):
        eb = ebase_of(t)
        vxo, vyo, vzo, dout, sout = outs[p]
        pltpu.async_copy(vxo, vx_hbm.at[pl.ds(eb, C)], sem_o[p])
        pltpu.async_copy(vyo, vy_hbm.at[pl.ds(eb, C)], sem_o[p])
        pltpu.async_copy(vzo, vz_hbm.at[pl.ds(eb, C)], sem_o[p])
        pltpu.async_copy(dout, dist_hbm.at[pl.ds(eb, C)], sem_o[p])
        pltpu.async_copy(sout, sw_hbm.at[pl.ds(eb, C)], sem_o[p])

    def drain_outs(p):
        vxo, vyo, vzo, dout, sout = outs[p]
        for b, h in ((vxo, vx_hbm), (vyo, vy_hbm), (vzo, vz_hbm),
                     (dout, dist_hbm), (sout, sw_hbm)):
            pltpu.make_async_copy(b, h.at[pl.ds(0, C)], sem_o[p]).wait()

    @pl.when(n_mine > 0)
    def _():
        fire_idx(0, 0)
        drain_idx(0)
        fire_gathers(0)

    @pl.when(n_mine > 1)
    def _():
        fire_idx(1, 1)

    def half(t, p):
        q = 1 - p

        @pl.when(t + 1 < n_mine)
        def _():
            drain_idx(q)
            fire_gathers(q)

        @pl.when(t < n_mine)
        def _():
            drain_gathers(p)

        @pl.when(t + 2 < n_mine)
        def _():
            fire_idx(t + 2, p)

        @pl.when(t < n_mine)
        def _():
            @pl.when(t >= 2)
            def _():
                drain_outs(p)

            compute_store(p)
            fire_outs(t, p)

    def pair(i, carry):
        half(2 * i, 0)
        half(2 * i + 1, 1)
        return carry

    lax.fori_loop(0, (n_mine + 1) // 2, pair, 0)

    @pl.when(n_mine >= 1)
    def _():
        drain_outs(0)

    @pl.when(n_mine >= 2)
    def _():
        drain_outs(1)


@jax.jit
def _run(x, y, z, src, dst):
    n_nodes = x.shape[0]
    n_edges = src.shape[0]
    assert n_edges % C == 0
    n_chunks = n_edges // C

    mesh = plsc.VectorSubcoreMesh(core_axis_name="c", subcore_axis_name="s")
    f32 = jnp.float32
    kern = pl.kernel(
        functools.partial(_edge_body, n_chunks),
        out_type=[
            jax.ShapeDtypeStruct((n_edges,), f32),
            jax.ShapeDtypeStruct((n_edges,), f32),
            jax.ShapeDtypeStruct((n_edges,), f32),
            jax.ShapeDtypeStruct((n_edges,), f32),
            jax.ShapeDtypeStruct((n_edges,), f32),
        ],
        mesh=mesh,
        compiler_params=pltpu.CompilerParams(needs_layout_passes=False),
        scratch_types=(
            [pltpu.VMEM_SHARED((n_nodes,), f32)] * 3
            + [pltpu.VMEM((C,), jnp.int32)] * 4
            + [pltpu.VMEM((C,), f32)] * 12
            + [pltpu.VMEM((C,), f32)] * 10
            + [pltpu.SemaphoreType.DMA] * 6
        ),
    )
    return kern(x, y, z, src, dst)


def kernel(coordinates, edge_src, edge_dst):
    vx, vy, vz, dist, sw = _run(
        coordinates[:, 0], coordinates[:, 1], coordinates[:, 2],
        edge_src, edge_dst)
    vec = jnp.stack([vx, vy, vz], axis=-1)
    return (vec, dist, sw, dist < CUTOFF)

# --- scband reference (transcript-rebuilt; emitter-appended) ---
"""Pipeline reference for scband-graph-processor-67740224193251 (READ-ONLY COPY).

The authoritative reference and input builder live on the scoring server;
editing this copy changes nothing except your own understanding.
"""

import jax, jax.numpy as jnp
import numpy as np

N_NODES = 100000
N_EDGES = 6400000
CUTOFF = 0.5


def setup_inputs(seed: int = 0) -> dict:
    key = jax.random.key(seed)
    k1, k2, k3 = jax.random.split(key, 3)
    coordinates = jax.random.uniform(k1, (N_NODES, 3), dtype=jnp.float32)
    edge_src = jax.random.randint(k2, (N_EDGES,), 0, N_NODES, dtype=jnp.int32)
    # avoid self-loops (zero distance) so the graph is well-conditioned
    offset = jax.random.randint(k3, (N_EDGES,), 1, N_NODES, dtype=jnp.int32)
    edge_dst = ((edge_src + offset) % N_NODES).astype(jnp.int32)
    return {"coordinates": coordinates, "edge_src": edge_src, "edge_dst": edge_dst}


def _switch_cosine(distances, edge_mask, cutoff):
    # fennol default SwitchFunction: cosine switch, zeroed outside cutoff
    x = distances / cutoff
    s = 0.5 * (jnp.cos(jnp.pi * x) + 1.0)
    return jnp.where(edge_mask, s, 0.0)


def reference(coordinates, edge_src, edge_dst):
    # gather-heavy edge vector construction (SparseCore-friendly gathers)
    vec = coordinates.at[edge_dst].get(mode='fill', fill_value=CUTOFF) - coordinates.at[edge_src].get(mode='fill', fill_value=0.0)
    distances = jnp.linalg.norm(vec, axis=-1)
    edge_mask = distances < CUTOFF
    switch = _switch_cosine(distances, edge_mask, CUTOFF)
    return vec, distances, switch, edge_mask

if __name__ == "__main__":
    import jax
    _d = setup_inputs()
    print(jax.jit(kernel)(*tuple(_d.values())))

</pallas_src>

<mosaic_0001>
#map = affine_map<(d0, d1) -> (0)>
module attributes {stable_mosaic.version = 14 : i64} {
  func.func @_edge_body(%arg0: i32, %arg1: i32, %arg2: memref<100000xf32, #tpu.memory_space<hbm>>, %arg3: memref<100000xf32, #tpu.memory_space<hbm>>, %arg4: memref<100000xf32, #tpu.memory_space<hbm>>, %arg5: memref<6400000xi32, #tpu.memory_space<hbm>>, %arg6: memref<6400000xi32, #tpu.memory_space<hbm>>, %arg7: memref<6400000xf32, #tpu.memory_space<hbm>>, %arg8: memref<6400000xf32, #tpu.memory_space<hbm>>, %arg9: memref<6400000xf32, #tpu.memory_space<hbm>>, %arg10: memref<6400000xf32, #tpu.memory_space<hbm>>, %arg11: memref<6400000xf32, #tpu.memory_space<hbm>>, %arg12: memref<100000xf32, #tpu.memory_space<vmem_shared>>, %arg13: memref<100000xf32, #tpu.memory_space<vmem_shared>>, %arg14: memref<100000xf32, #tpu.memory_space<vmem_shared>>, %arg15: memref<3200xi32, #tpu.memory_space<vmem>>, %arg16: memref<3200xi32, #tpu.memory_space<vmem>>, %arg17: memref<3200xi32, #tpu.memory_space<vmem>>, %arg18: memref<3200xi32, #tpu.memory_space<vmem>>, %arg19: memref<3200xf32, #tpu.memory_space<vmem>>, %arg20: memref<3200xf32, #tpu.memory_space<vmem>>, %arg21: memref<3200xf32, #tpu.memory_space<vmem>>, %arg22: memref<3200xf32, #tpu.memory_space<vmem>>, %arg23: memref<3200xf32, #tpu.memory_space<vmem>>, %arg24: memref<3200xf32, #tpu.memory_space<vmem>>, %arg25: memref<3200xf32, #tpu.memory_space<vmem>>, %arg26: memref<3200xf32, #tpu.memory_space<vmem>>, %arg27: memref<3200xf32, #tpu.memory_space<vmem>>, %arg28: memref<3200xf32, #tpu.memory_space<vmem>>, %arg29: memref<3200xf32, #tpu.memory_space<vmem>>, %arg30: memref<3200xf32, #tpu.memory_space<vmem>>, %arg31: memref<3200xf32, #tpu.memory_space<vmem>>, %arg32: memref<3200xf32, #tpu.memory_space<vmem>>, %arg33: memref<3200xf32, #tpu.memory_space<vmem>>, %arg34: memref<3200xf32, #tpu.memory_space<vmem>>, %arg35: memref<3200xf32, #tpu.memory_space<vmem>>, %arg36: memref<3200xf32, #tpu.memory_space<vmem>>, %arg37: memref<3200xf32, #tpu.memory_space<vmem>>, %arg38: memref<3200xf32, #tpu.memory_space<vmem>>, %arg39: memref<3200xf32, #tpu.memory_space<vmem>>, %arg40: memref<3200xf32, #tpu.memory_space<vmem>>, %arg41: memref<!tpu.dma_semaphore, #tpu.memory_space<semaphore_mem>>, %arg42: memref<!tpu.dma_semaphore, #tpu.memory_space<semaphore_mem>>, %arg43: memref<!tpu.dma_semaphore, #tpu.memory_space<semaphore_mem>>, %arg44: memref<!tpu.dma_semaphore, #tpu.memory_space<semaphore_mem>>, %arg45: memref<!tpu.dma_semaphore, #tpu.memory_space<semaphore_mem>>, %arg46: memref<!tpu.dma_semaphore, #tpu.memory_space<semaphore_mem>>) attributes {dimension_semantics = [#tpu.dimension_semantics<core_parallel>, #tpu.dimension_semantics<subcore_parallel>], iteration_bounds = array<i64: 2, 16>, scalar_prefetch = 0 : i64, scratch_operands = 35 : i64, tpu.core_type = #tpu.core_type<sc_vector_subcore>, window_params = [{transform_indices = #map}, {transform_indices = #map}, {transform_indices = #map}, {transform_indices = #map}, {transform_indices = #map}, {transform_indices = #map}, {transform_indices = #map}, {transform_indices = #map}, {transform_indices = #map}, {transform_indices = #map}]} {
    %mul3A = arith.constant 2 : i32
    %mul3A_0 = arith.muli %arg1, %mul3A : i32
    %add3A = arith.addi %mul3A_0, %arg0 : i32
    %eq3A = arith.constant 0 : i32
    %eq3A_1 = arith.cmpi eq, %arg1, %eq3A : i32
    %convert_element_type3A = arith.extui %eq3A_1 : i1 to i32
    %cond3A = arith.constant 0 : i32
    %cond3A_2 = arith.cmpi ne, %convert_element_type3A, %cond3A : i32
    scf.if %cond3A_2 {
      "tpu.region"() ({
        %run_scoped3A = tpu.sem_alloc : memref<!tpu.dma_semaphore, #tpu.memory_space<semaphore_mem>>
        tpu.enqueue_dma source(%arg2 : memref<100000xf32, #tpu.memory_space<hbm>>) target(%arg12 : memref<100000xf32, #tpu.memory_space<vmem_shared>>) target_semaphore(%run_scoped3A : memref<!tpu.dma_semaphore, #tpu.memory_space<semaphore_mem>>)
        tpu.wait_dma2 semaphore(%run_scoped3A : memref<!tpu.dma_semaphore, #tpu.memory_space<semaphore_mem>>) src(%arg2 : memref<100000xf32, #tpu.memory_space<hbm>>) dst(%arg12 : memref<100000xf32, #tpu.memory_space<vmem_shared>>)
        tpu.yield
      }) : () -> ()
      "tpu.region"() ({
        %run_scoped3A = tpu.sem_alloc : memref<!tpu.dma_semaphore, #tpu.memory_space<semaphore_mem>>
        tpu.enqueue_dma source(%arg3 : memref<100000xf32, #tpu.memory_space<hbm>>) target(%arg13 : memref<100000xf32, #tpu.memory_space<vmem_shared>>) target_semaphore(%run_scoped3A : memref<!tpu.dma_semaphore, #tpu.memory_space<semaphore_mem>>)
        tpu.wait_dma2 semaphore(%run_scoped3A : memref<!tpu.dma_semaphore, #tpu.memory_space<semaphore_mem>>) src(%arg3 : memref<100000xf32, #tpu.memory_space<hbm>>) dst(%arg13 : memref<100000xf32, #tpu.memory_space<vmem_shared>>)
        tpu.yield
      }) : () -> ()
      "tpu.region"() ({
        %run_scoped3A = tpu.sem_alloc : memref<!tpu.dma_semaphore, #tpu.memory_space<semaphore_mem>>
        tpu.enqueue_dma source(%arg4 : memref<100000xf32, #tpu.memory_space<hbm>>) target(%arg14 : memref<100000xf32, #tpu.memory_space<vmem_shared>>) target_semaphore(%run_scoped3A : memref<!tpu.dma_semaphore, #tpu.memory_space<semaphore_mem>>)
        tpu.wait_dma2 semaphore(%run_scoped3A : memref<!tpu.dma_semaphore, #tpu.memory_space<semaphore_mem>>) src(%arg4 : memref<100000xf32, #tpu.memory_space<hbm>>) dst(%arg14 : memref<100000xf32, #tpu.memory_space<vmem_shared>>)
        tpu.yield
      }) : () -> ()
    } else {
    }
    %barrier3A = arith.constant 0 : index
    tpu.barrier barrier_id(%barrier3A)
    %lt3A = arith.constant 16 : i32
    %lt3A_3 = arith.cmpi slt, %add3A, %lt3A : i32
    %jit3A = arith.constant 1 : i32
    %jit3A_4 = arith.constant 0 : i32
    %select_n3A = arith.select %lt3A_3, %jit3A, %jit3A_4 : i32
    %add3A_5 = arith.constant 62 : i32
    %add3A_6 = arith.addi %add3A_5, %select_n3A : i32
    %gt3A = arith.constant 0 : i32
    %gt3A_7 = arith.cmpi sgt, %add3A_6, %gt3A : i32
    %convert_element_type3A_8 = arith.extui %gt3A_7 : i1 to i32
    %cond3A_9 = arith.constant 0 : i32
    %cond3A_10 = arith.cmpi ne, %convert_element_type3A_8, %cond3A_9 : i32
    scf.if %cond3A_10 {
      %add3A_54 = arith.constant 0 : i32
      %add3A_55 = arith.addi %add3A_54, %add3A : i32
      %mul3A_56 = arith.constant 3200 : i32
      %mul3A_57 = arith.muli %add3A_55, %mul3A_56 : i32
      %dma_start3A = tpu.memref_slice %arg5[%mul3A_57] : memref<6400000xi32, #tpu.memory_space<hbm>> -> memref<3200xi32, #tpu.memory_space<hbm>>
      %dma_start3A_58 = tpu.memref_slice %arg5[%mul3A_57] : memref<6400000xi32, #tpu.memory_space<hbm>> -> memref<3200xi32, #tpu.memory_space<hbm>>
      tpu.enqueue_dma source(%dma_start3A_58 : memref<3200xi32, #tpu.memory_space<hbm>>) target(%arg15 : memref<3200xi32, #tpu.memory_space<vmem>>) target_semaphore(%arg41 : memref<!tpu.dma_semaphore, #tpu.memory_space<semaphore_mem>>)
      %dma_start3A_59 = tpu.memref_slice %arg6[%mul3A_57] : memref<6400000xi32, #tpu.memory_space<hbm>> -> memref<3200xi32, #tpu.memory_space<hbm>>
      %dma_start3A_60 = tpu.memref_slice %arg6[%mul3A_57] : memref<6400000xi32, #tpu.memory_space<hbm>> -> memref<3200xi32, #tpu.memory_space<hbm>>
      tpu.enqueue_dma source(%dma_start3A_60 : memref<3200xi32, #tpu.memory_space<hbm>>) target(%arg16 : memref<3200xi32, #tpu.memory_space<vmem>>) target_semaphore(%arg41 : memref<!tpu.dma_semaphore, #tpu.memory_space<semaphore_mem>>)
      %dma_wait3A = arith.constant 0 : i32
      %dma_wait3A_61 = tpu.memref_slice %arg5[%dma_wait3A] : memref<6400000xi32, #tpu.memory_space<hbm>> -> memref<3200xi32, #tpu.memory_space<hbm>>
      %dma_wait3A_62 = arith.constant 0 : i32
      %dma_wait3A_63 = tpu.memref_slice %arg5[%dma_wait3A_62] : memref<6400000xi32, #tpu.memory_space<hbm>> -> memref<3200xi32, #tpu.memory_space<hbm>>
      tpu.wait_dma2 semaphore(%arg41 : memref<!tpu.dma_semaphore, #tpu.memory_space<semaphore_mem>>) src(%dma_wait3A_63 : memref<3200xi32, #tpu.memory_space<hbm>>) dst(%arg15 : memref<3200xi32, #tpu.memory_space<vmem>>)
      %dma_wait3A_64 = arith.constant 0 : i32
      %dma_wait3A_65 = tpu.memref_slice %arg6[%dma_wait3A_64] : memref<6400000xi32, #tpu.memory_space<hbm>> -> memref<3200xi32, #tpu.memory_space<hbm>>
      %dma_wait3A_66 = arith.constant 0 : i32
      %dma_wait3A_67 = tpu.memref_slice %arg6[%dma_wait3A_66] : memref<6400000xi32, #tpu.memory_space<hbm>> -> memref<3200xi32, #tpu.memory_space<hbm>>
      tpu.wait_dma2 semaphore(%arg41 : memref<!tpu.dma_semaphore, #tpu.memory_space<semaphore_mem>>) src(%dma_wait3A_67 : memref<3200xi32, #tpu.memory_space<hbm>>) dst(%arg16 : memref<3200xi32, #tpu.memory_space<vmem>>)
      %dma_start3A_68 = arith.constant 0 : i32
      %dma_start3A_69 = tpu.memref_slice %arg12[%dma_start3A_68] : memref<100000xf32, #tpu.memory_space<vmem_shared>> -> memref<100000xf32, #tpu.memory_space<vmem_shared>>
      tpu.enqueue_indirect_dma source(%dma_start3A_69 : memref<100000xf32, #tpu.memory_space<vmem_shared>>) target(%arg19 : memref<3200xf32, #tpu.memory_space<vmem>>) offsets(%arg15 : memref<3200xi32, #tpu.memory_space<vmem>>) semaphore(%arg43 : memref<!tpu.dma_semaphore, #tpu.memory_space<semaphore_mem>>)
      %dma_start3A_70 = arith.constant 0 : i32
      %dma_start3A_71 = tpu.memref_slice %arg13[%dma_start3A_70] : memref<100000xf32, #tpu.memory_space<vmem_shared>> -> memref<100000xf32, #tpu.memory_space<vmem_shared>>
      tpu.enqueue_indirect_dma source(%dma_start3A_71 : memref<100000xf32, #tpu.memory_space<vmem_shared>>) target(%arg20 : memref<3200xf32, #tpu.memory_space<vmem>>) offsets(%arg15 : memref<3200xi32, #tpu.memory_space<vmem>>) semaphore(%arg43 : memref<!tpu.dma_semaphore, #tpu.memory_space<semaphore_mem>>)
      %dma_start3A_72 = arith.constant 0 : i32
      %dma_start3A_73 = tpu.memref_slice %arg14[%dma_start3A_72] : memref<100000xf32, #tpu.memory_space<vmem_shared>> -> memref<100000xf32, #tpu.memory_space<vmem_shared>>
      tpu.enqueue_indirect_dma source(%dma_start3A_73 : memref<100000xf32, #tpu.memory_space<vmem_shared>>) target(%arg21 : memref<3200xf32, #tpu.memory_space<vmem>>) offsets(%arg15 : memref<3200xi32, #tpu.memory_space<vmem>>) semaphore(%arg43 : memref<!tpu.dma_semaphore, #tpu.memory_space<semaphore_mem>>)
      %dma_start3A_74 = arith.constant 0 : i32
      %dma_start3A_75 = tpu.memref_slice %arg12[%dma_start3A_74] : memref<100000xf32, #tpu.memory_space<vmem_shared>> -> memref<100000xf32, #tpu.memory_space<vmem_shared>>
      tpu.enqueue_indirect_dma source(%dma_start3A_75 : memref<100000xf32, #tpu.memory_space<vmem_shared>>) target(%arg22 : memref<3200xf32, #tpu.memory_space<vmem>>) offsets(%arg16 : memref<3200xi32, #tpu.memory_space<vmem>>) semaphore(%arg43 : memref<!tpu.dma_semaphore, #tpu.memory_space<semaphore_mem>>)
      %dma_start3A_76 = arith.constant 0 : i32
      %dma_start3A_77 = tpu.memref_slice %arg13[%dma_start3A_76] : memref<100000xf32, #tpu.memory_space<vmem_shared>> -> memref<100000xf32, #tpu.memory_space<vmem_shared>>
      tpu.enqueue_indirect_dma source(%dma_start3A_77 : memref<100000xf32, #tpu.memory_space<vmem_shared>>) target(%arg23 : memref<3200xf32, #tpu.memory_space<vmem>>) offsets(%arg16 : memref<3200xi32, #tpu.memory_space<vmem>>) semaphore(%arg43 : memref<!tpu.dma_semaphore, #tpu.memory_space<semaphore_mem>>)
      %dma_start3A_78 = arith.constant 0 : i32
      %dma_start3A_79 = tpu.memref_slice %arg14[%dma_start3A_78] : memref<100000xf32, #tpu.memory_space<vmem_shared>> -> memref<100000xf32, #tpu.memory_space<vmem_shared>>
      tpu.enqueue_indirect_dma source(%dma_start3A_79 : memref<100000xf32, #tpu.memory_space<vmem_shared>>) target(%arg24 : memref<3200xf32, #tpu.memory_space<vmem>>) offsets(%arg16 : memref<3200xi32, #tpu.memory_space<vmem>>) semaphore(%arg43 : memref<!tpu.dma_semaphore, #tpu.memory_space<semaphore_mem>>)
    } else {
    }
    %gt3A_11 = arith.constant 1 : i32
    %gt3A_12 = arith.cmpi sgt, %add3A_6, %gt3A_11 : i32
    %convert_element_type3A_13 = arith.extui %gt3A_12 : i1 to i32
    %cond3A_14 = arith.constant 0 : i32
    %cond3A_15 = arith.cmpi ne, %convert_element_type3A_13, %cond3A_14 : i32
    scf.if %cond3A_15 {
      %add3A_54 = arith.constant 32 : i32
      %add3A_55 = arith.addi %add3A_54, %add3A : i32
      %mul3A_56 = arith.constant 3200 : i32
      %mul3A_57 = arith.muli %add3A_55, %mul3A_56 : i32
      %dma_start3A = tpu.memref_slice %arg5[%mul3A_57] : memref<6400000xi32, #tpu.memory_space<hbm>> -> memref<3200xi32, #tpu.memory_space<hbm>>
      %dma_start3A_58 = tpu.memref_slice %arg5[%mul3A_57] : memref<6400000xi32, #tpu.memory_space<hbm>> -> memref<3200xi32, #tpu.memory_space<hbm>>
      tpu.enqueue_dma source(%dma_start3A_58 : memref<3200xi32, #tpu.memory_space<hbm>>) target(%arg17 : memref<3200xi32, #tpu.memory_space<vmem>>) target_semaphore(%arg42 : memref<!tpu.dma_semaphore, #tpu.memory_space<semaphore_mem>>)
      %dma_start3A_59 = tpu.memref_slice %arg6[%mul3A_57] : memref<6400000xi32, #tpu.memory_space<hbm>> -> memref<3200xi32, #tpu.memory_space<hbm>>
      %dma_start3A_60 = tpu.memref_slice %arg6[%mul3A_57] : memref<6400000xi32, #tpu.memory_space<hbm>> -> memref<3200xi32, #tpu.memory_space<hbm>>
      tpu.enqueue_dma source(%dma_start3A_60 : memref<3200xi32, #tpu.memory_space<hbm>>) target(%arg18 : memref<3200xi32, #tpu.memory_space<vmem>>) target_semaphore(%arg42 : memref<!tpu.dma_semaphore, #tpu.memory_space<semaphore_mem>>)
    } else {
    }
    %add3A_16 = arith.constant 1 : i32
    %add3A_17 = arith.addi %add3A_6, %add3A_16 : i32
    %jit3A_18 = arith.constant 2 : i32
    %div3A = arith.divsi %add3A_17, %jit3A_18 : i32
    %sign3A = arith.constant 0 : i32
    %sign3A_19 = arith.cmpi sgt, %add3A_17, %sign3A : i32
    %sign3A_20 = arith.extui %sign3A_19 : i1 to i32
    %sign3A_21 = arith.constant 0 : i32
    %sign3A_22 = arith.cmpi slt, %add3A_17, %sign3A_21 : i32
    %sign3A_23 = arith.extui %sign3A_22 : i1 to i32
    %sign3A_24 = arith.subi %sign3A_20, %sign3A_23 : i32
    %sign3A_25 = arith.constant 0 : i32
    %sign3A_26 = arith.cmpi sgt, %jit3A_18, %sign3A_25 : i32
    %sign3A_27 = arith.extui %sign3A_26 : i1 to i32
    %sign3A_28 = arith.constant 0 : i32
    %sign3A_29 = arith.cmpi slt, %jit3A_18, %sign3A_28 : i32
    %sign3A_30 = arith.extui %sign3A_29 : i1 to i32
    %sign3A_31 = arith.subi %sign3A_27, %sign3A_30 : i32
    %ne3A = arith.cmpi ne, %sign3A_24, %sign3A_31 : i32
    %rem3A = arith.remsi %add3A_17, %jit3A_18 : i32
    %ne3A_32 = arith.constant 0 : i32
    %ne3A_33 = arith.cmpi ne, %rem3A, %ne3A_32 : i32
    %and3A = arith.andi %ne3A, %ne3A_33 : i1
    %sub3A = arith.constant 1 : i32
    %sub3A_34 = arith.subi %div3A, %sub3A : i32
    %select_n3A_35 = arith.select %and3A, %sub3A_34, %div3A : i32
    %while3A = arith.constant 0 : i32
    %while3A_36 = arith.constant 0 : i32
    %while3A_37 = arith.subi %select_n3A_35, %while3A_36 : i32
    %while3A_38 = arith.addi %while3A_36, %while3A_37 : i32
    %while3A_39 = arith.constant 1 : i32
    %while3A_40 = arith.divsi %while3A_37, %while3A_39 : i32
    %while3A_41 = arith.muli %while3A_40, %while3A_39 : i32
    %while3A_42 = arith.addi %while3A_36, %while3A_41 : i32
    %while3A_43 = arith.constant 1 : i32
    scf.for %while3A_54 = %while3A_36 to %while3A_42 step %while3A_43  : i32 {
      %mul3A_55 = arith.constant 2 : i32
      %mul3A_56 = arith.muli %mul3A_55, %while3A_54 : i32
      %add3A_57 = arith.constant 1 : i32
      %add3A_58 = arith.addi %mul3A_56, %add3A_57 : i32
      %lt3A_59 = arith.cmpi slt, %add3A_58, %add3A_6 : i32
      %convert_element_type3A_60 = arith.extui %lt3A_59 : i1 to i32
      %cond3A_61 = arith.constant 0 : i32
      %cond3A_62 = arith.cmpi ne, %convert_element_type3A_60, %cond3A_61 : i32
      scf.if %cond3A_62 {
        %dma_wait3A = arith.constant 0 : i32
        %dma_wait3A_101 = tpu.memref_slice %arg5[%dma_wait3A] : memref<6400000xi32, #tpu.memory_space<hbm>> -> memref<3200xi32, #tpu.memory_space<hbm>>
        %dma_wait3A_102 = arith.constant 0 : i32
        %dma_wait3A_103 = tpu.memref_slice %arg5[%dma_wait3A_102] : memref<6400000xi32, #tpu.memory_space<hbm>> -> memref<3200xi32, #tpu.memory_space<hbm>>
        tpu.wait_dma2 semaphore(%arg42 : memref<!tpu.dma_semaphore, #tpu.memory_space<semaphore_mem>>) src(%dma_wait3A_103 : memref<3200xi32, #tpu.memory_space<hbm>>) dst(%arg17 : memref<3200xi32, #tpu.memory_space<vmem>>)
        %dma_wait3A_104 = arith.constant 0 : i32
        %dma_wait3A_105 = tpu.memref_slice %arg6[%dma_wait3A_104] : memref<6400000xi32, #tpu.memory_space<hbm>> -> memref<3200xi32, #tpu.memory_space<hbm>>
        %dma_wait3A_106 = arith.constant 0 : i32
        %dma_wait3A_107 = tpu.memref_slice %arg6[%dma_wait3A_106] : memref<6400000xi32, #tpu.memory_space<hbm>> -> memref<3200xi32, #tpu.memory_space<hbm>>
        tpu.wait_dma2 semaphore(%arg42 : memref<!tpu.dma_semaphore, #tpu.memory_space<semaphore_mem>>) src(%dma_wait3A_107 : memref<3200xi32, #tpu.memory_space<hbm>>) dst(%arg18 : memref<3200xi32, #tpu.memory_space<vmem>>)
        %dma_start3A = arith.constant 0 : i32
        %dma_start3A_108 = tpu.memref_slice %arg12[%dma_start3A] : memref<100000xf32, #tpu.memory_space<vmem_shared>> -> memref<100000xf32, #tpu.memory_space<vmem_shared>>
        tpu.enqueue_indirect_dma source(%dma_start3A_108 : memref<100000xf32, #tpu.memory_space<vmem_shared>>) target(%arg25 : memref<3200xf32, #tpu.memory_space<vmem>>) offsets(%arg17 : memref<3200xi32, #tpu.memory_space<vmem>>) semaphore(%arg44 : memref<!tpu.dma_semaphore, #tpu.memory_space<semaphore_mem>>)
        %dma_start3A_109 = arith.constant 0 : i32
        %dma_start3A_110 = tpu.memref_slice %arg13[%dma_start3A_109] : memref<100000xf32, #tpu.memory_space<vmem_shared>> -> memref<100000xf32, #tpu.memory_space<vmem_shared>>
        tpu.enqueue_indirect_dma source(%dma_start3A_110 : memref<100000xf32, #tpu.memory_space<vmem_shared>>) target(%arg26 : memref<3200xf32, #tpu.memory_space<vmem>>) offsets(%arg17 : memref<3200xi32, #tpu.memory_space<vmem>>) semaphore(%arg44 : memref<!tpu.dma_semaphore, #tpu.memory_space<semaphore_mem>>)
        %dma_start3A_111 = arith.constant 0 : i32
        %dma_start3A_112 = tpu.memref_slice %arg14[%dma_start3A_111] : memref<100000xf32, #tpu.memory_space<vmem_shared>> -> memref<100000xf32, #tpu.memory_space<vmem_shared>>
        tpu.enqueue_indirect_dma source(%dma_start3A_112 : memref<100000xf32, #tpu.memory_space<vmem_shared>>) target(%arg27 : memref<3200xf32, #tpu.memory_space<vmem>>) offsets(%arg17 : memref<3200xi32, #tpu.memory_space<vmem>>) semaphore(%arg44 : memref<!tpu.dma_semaphore, #tpu.memory_space<semaphore_mem>>)
        %dma_start3A_113 = arith.constant 0 : i32
        %dma_start3A_114 = tpu.memref_slice %arg12[%dma_start3A_113] : memref<100000xf32, #tpu.memory_space<vmem_shared>> -> memref<100000xf32, #tpu.memory_space<vmem_shared>>
        tpu.enqueue_indirect_dma source(%dma_start3A_114 : memref<100000xf32, #tpu.memory_space<vmem_shared>>) target(%arg28 : memref<3200xf32, #tpu.memory_space<vmem>>) offsets(%arg18 : memref<3200xi32, #tpu.memory_space<vmem>>) semaphore(%arg44 : memref<!tpu.dma_semaphore, #tpu.memory_space<semaphore_mem>>)
        %dma_start3A_115 = arith.constant 0 : i32
        %dma_start3A_116 = tpu.memref_slice %arg13[%dma_start3A_115] : memref<100000xf32, #tpu.memory_space<vmem_shared>> -> memref<100000xf32, #tpu.memory_space<vmem_shared>>
        tpu.enqueue_indirect_dma source(%dma_start3A_116 : memref<100000xf32, #tpu.memory_space<vmem_shared>>) target(%arg29 : memref<3200xf32, #tpu.memory_space<vmem>>) offsets(%arg18 : memref<3200xi32, #tpu.memory_space<vmem>>) semaphore(%arg44 : memref<!tpu.dma_semaphore, #tpu.memory_space<semaphore_mem>>)
        %dma_start3A_117 = arith.constant 0 : i32
        %dma_start3A_118 = tpu.memref_slice %arg14[%dma_start3A_117] : memref<100000xf32, #tpu.memory_space<vmem_shared>> -> memref<100000xf32, #tpu.memory_space<vmem_shared>>
        tpu.enqueue_indirect_dma source(%dma_start3A_118 : memref<100000xf32, #tpu.memory_space<vmem_shared>>) target(%arg30 : memref<3200xf32, #tpu.memory_space<vmem>>) offsets(%arg18 : memref<3200xi32, #tpu.memory_space<vmem>>) semaphore(%arg44 : memref<!tpu.dma_semaphore, #tpu.memory_space<semaphore_mem>>)
      } else {
      }
      %lt3A_63 = arith.cmpi slt, %mul3A_56, %add3A_6 : i32
      %convert_element_type3A_64 = arith.extui %lt3A_63 : i1 to i32
      %cond3A_65 = arith.constant 0 : i32
      %cond3A_66 = arith.cmpi ne, %convert_element_type3A_64, %cond3A_65 : i32
      scf.if %cond3A_66 {
        %dma_wait3A = arith.constant 0 : i32
        %dma_wait3A_101 = tpu.memref_slice %arg12[%dma_wait3A] : memref<100000xf32, #tpu.memory_space<vmem_shared>> -> memref<100000xf32, #tpu.memory_space<vmem_shared>>
        tpu.wait_indirect_dma semaphore(%arg43 : memref<!tpu.dma_semaphore, #tpu.memory_space<semaphore_mem>>) src(%dma_wait3A_101 : memref<100000xf32, #tpu.memory_space<vmem_shared>>) dst(%arg19 : memref<3200xf32, #tpu.memory_space<vmem>>)
        %dma_wait3A_102 = arith.constant 0 : i32
        %dma_wait3A_103 = tpu.memref_slice %arg13[%dma_wait3A_102] : memref<100000xf32, #tpu.memory_space<vmem_shared>> -> memref<100000xf32, #tpu.memory_space<vmem_shared>>
        tpu.wait_indirect_dma semaphore(%arg43 : memref<!tpu.dma_semaphore, #tpu.memory_space<semaphore_mem>>) src(%dma_wait3A_103 : memref<100000xf32, #tpu.memory_space<vmem_shared>>) dst(%arg20 : memref<3200xf32, #tpu.memory_space<vmem>>)
        %dma_wait3A_104 = arith.constant 0 : i32
        %dma_wait3A_105 = tpu.memref_slice %arg14[%dma_wait3A_104] : memref<100000xf32, #tpu.memory_space<vmem_shared>> -> memref<100000xf32, #tpu.memory_space<vmem_shared>>
        tpu.wait_indirect_dma semaphore(%arg43 : memref<!tpu.dma_semaphore, #tpu.memory_space<semaphore_mem>>) src(%dma_wait3A_105 : memref<100000xf32, #tpu.memory_space<vmem_shared>>) dst(%arg21 : memref<3200xf32, #tpu.memory_space<vmem>>)
        %dma_wait3A_106 = arith.constant 0 : i32
        %dma_wait3A_107 = tpu.memref_slice %arg12[%dma_wait3A_106] : memref<100000xf32, #tpu.memory_space<vmem_shared>> -> memref<100000xf32, #tpu.memory_space<vmem_shared>>
        tpu.wait_indirect_dma semaphore(%arg43 : memref<!tpu.dma_semaphore, #tpu.memory_space<semaphore_mem>>) src(%dma_wait3A_107 : memref<100000xf32, #tpu.memory_space<vmem_shared>>) dst(%arg22 : memref<3200xf32, #tpu.memory_space<vmem>>)
        %dma_wait3A_108 = arith.constant 0 : i32
        %dma_wait3A_109 = tpu.memref_slice %arg13[%dma_wait3A_108] : memref<100000xf32, #tpu.memory_space<vmem_shared>> -> memref<100000xf32, #tpu.memory_space<vmem_shared>>
        tpu.wait_indirect_dma semaphore(%arg43 : memref<!tpu.dma_semaphore, #tpu.memory_space<semaphore_mem>>) src(%dma_wait3A_109 : memref<100000xf32, #tpu.memory_space<vmem_shared>>) dst(%arg23 : memref<3200xf32, #tpu.memory_space<vmem>>)
        %dma_wait3A_110 = arith.constant 0 : i32
        %dma_wait3A_111 = tpu.memref_slice %arg14[%dma_wait3A_110] : memref<100000xf32, #tpu.memory_space<vmem_shared>> -> memref<100000xf32, #tpu.memory_space<vmem_shared>>
        tpu.wait_indirect_dma semaphore(%arg43 : memref<!tpu.dma_semaphore, #tpu.memory_space<semaphore_mem>>) src(%dma_wait3A_111 : memref<100000xf32, #tpu.memory_space<vmem_shared>>) dst(%arg24 : memref<3200xf32, #tpu.memory_space<vmem>>)
      } else {
      }
      %add3A_67 = arith.constant 2 : i32
      %add3A_68 = arith.addi %mul3A_56, %add3A_67 : i32
      %lt3A_69 = arith.cmpi slt, %add3A_68, %add3A_6 : i32
      %convert_element_type3A_70 = arith.extui %lt3A_69 : i1 to i32
      %cond3A_71 = arith.constant 0 : i32
      %cond3A_72 = arith.cmpi ne, %convert_element_type3A_70, %cond3A_71 : i32
      scf.if %cond3A_72 {
        %add3A_101 = arith.constant 2 : i32
        %add3A_102 = arith.addi %mul3A_56, %add3A_101 : i32
        %mul3A_103 = arith.constant 32 : i32
        %mul3A_104 = arith.muli %add3A_102, %mul3A_103 : i32
        %add3A_105 = arith.addi %mul3A_104, %add3A : i32
        %mul3A_106 = arith.constant 3200 : i32
        %mul3A_107 = arith.muli %add3A_105, %mul3A_106 : i32
        %dma_start3A = tpu.memref_slice %arg5[%mul3A_107] : memref<6400000xi32, #tpu.memory_space<hbm>> -> memref<3200xi32, #tpu.memory_space<hbm>>
        %dma_start3A_108 = tpu.memref_slice %arg5[%mul3A_107] : memref<6400000xi32, #tpu.memory_space<hbm>> -> memref<3200xi32, #tpu.memory_space<hbm>>
        tpu.enqueue_dma source(%dma_start3A_108 : memref<3200xi32, #tpu.memory_space<hbm>>) target(%arg15 : memref<3200xi32, #tpu.memory_space<vmem>>) target_semaphore(%arg41 : memref<!tpu.dma_semaphore, #tpu.memory_space<semaphore_mem>>)
        %dma_start3A_109 = tpu.memref_slice %arg6[%mul3A_107] : memref<6400000xi32, #tpu.memory_space<hbm>> -> memref<3200xi32, #tpu.memory_space<hbm>>
        %dma_start3A_110 = tpu.memref_slice %arg6[%mul3A_107] : memref<6400000xi32, #tpu.memory_space<hbm>> -> memref<3200xi32, #tpu.memory_space<hbm>>
        tpu.enqueue_dma source(%dma_start3A_110 : memref<3200xi32, #tpu.memory_space<hbm>>) target(%arg16 : memref<3200xi32, #tpu.memory_space<vmem>>) target_semaphore(%arg41 : memref<!tpu.dma_semaphore, #tpu.memory_space<semaphore_mem>>)
      } else {
      }
      %lt3A_73 = arith.cmpi slt, %mul3A_56, %add3A_6 : i32
      %convert_element_type3A_74 = arith.extui %lt3A_73 : i1 to i32
      %cond3A_75 = arith.constant 0 : i32
      %cond3A_76 = arith.cmpi ne, %convert_element_type3A_74, %cond3A_75 : i32
      scf.if %cond3A_76 {
        %ge3A_101 = arith.constant 2 : i32
        %ge3A_102 = arith.cmpi sge, %mul3A_56, %ge3A_101 : i32
        %convert_element_type3A_103 = arith.extui %ge3A_102 : i1 to i32
        %cond3A_104 = arith.constant 0 : i32
        %cond3A_105 = arith.cmpi ne, %convert_element_type3A_103, %cond3A_104 : i32
        scf.if %cond3A_105 {
          %dma_wait3A = arith.constant 0 : i32
          %dma_wait3A_125 = tpu.memref_slice %arg7[%dma_wait3A] : memref<6400000xf32, #tpu.memory_space<hbm>> -> memref<3200xf32, #tpu.memory_space<hbm>>
          %dma_wait3A_126 = arith.constant 0 : i32
          %dma_wait3A_127 = tpu.memref_slice %arg7[%dma_wait3A_126] : memref<6400000xf32, #tpu.memory_space<hbm>> -> memref<3200xf32, #tpu.memory_space<hbm>>
          tpu.wait_dma2 semaphore(%arg45 : memref<!tpu.dma_semaphore, #tpu.memory_space<semaphore_mem>>) src(%arg31 : memref<3200xf32, #tpu.memory_space<vmem>>) dst(%dma_wait3A_127 : memref<3200xf32, #tpu.memory_space<hbm>>)
          %dma_wait3A_128 = arith.constant 0 : i32
          %dma_wait3A_129 = tpu.memref_slice %arg8[%dma_wait3A_128] : memref<6400000xf32, #tpu.memory_space<hbm>> -> memref<3200xf32, #tpu.memory_space<hbm>>
          %dma_wait3A_130 = arith.constant 0 : i32
          %dma_wait3A_131 = tpu.memref_slice %arg8[%dma_wait3A_130] : memref<6400000xf32, #tpu.memory_space<hbm>> -> memref<3200xf32, #tpu.memory_space<hbm>>
          tpu.wait_dma2 semaphore(%arg45 : memref<!tpu.dma_semaphore, #tpu.memory_space<semaphore_mem>>) src(%arg32 : memref<3200xf32, #tpu.memory_space<vmem>>) dst(%dma_wait3A_131 : memref<3200xf32, #tpu.memory_space<hbm>>)
          %dma_wait3A_132 = arith.constant 0 : i32
          %dma_wait3A_133 = tpu.memref_slice %arg9[%dma_wait3A_132] : memref<6400000xf32, #tpu.memory_space<hbm>> -> memref<3200xf32, #tpu.memory_space<hbm>>
          %dma_wait3A_134 = arith.constant 0 : i32
          %dma_wait3A_135 = tpu.memref_slice %arg9[%dma_wait3A_134] : memref<6400000xf32, #tpu.memory_space<hbm>> -> memref<3200xf32, #tpu.memory_space<hbm>>
          tpu.wait_dma2 semaphore(%arg45 : memref<!tpu.dma_semaphore, #tpu.memory_space<semaphore_mem>>) src(%arg33 : memref<3200xf32, #tpu.memory_space<vmem>>) dst(%dma_wait3A_135 : memref<3200xf32, #tpu.memory_space<hbm>>)
          %dma_wait3A_136 = arith.constant 0 : i32
          %dma_wait3A_137 = tpu.memref_slice %arg10[%dma_wait3A_136] : memref<6400000xf32, #tpu.memory_space<hbm>> -> memref<3200xf32, #tpu.memory_space<hbm>>
          %dma_wait3A_138 = arith.constant 0 : i32
          %dma_wait3A_139 = tpu.memref_slice %arg10[%dma_wait3A_138] : memref<6400000xf32, #tpu.memory_space<hbm>> -> memref<3200xf32, #tpu.memory_space<hbm>>
          tpu.wait_dma2 semaphore(%arg45 : memref<!tpu.dma_semaphore, #tpu.memory_space<semaphore_mem>>) src(%arg34 : memref<3200xf32, #tpu.memory_space<vmem>>) dst(%dma_wait3A_139 : memref<3200xf32, #tpu.memory_space<hbm>>)
          %dma_wait3A_140 = arith.constant 0 : i32
          %dma_wait3A_141 = tpu.memref_slice %arg11[%dma_wait3A_140] : memref<6400000xf32, #tpu.memory_space<hbm>> -> memref<3200xf32, #tpu.memory_space<hbm>>
          %dma_wait3A_142 = arith.constant 0 : i32
          %dma_wait3A_143 = tpu.memref_slice %arg11[%dma_wait3A_142] : memref<6400000xf32, #tpu.memory_space<hbm>> -> memref<3200xf32, #tpu.memory_space<hbm>>
          tpu.wait_dma2 semaphore(%arg45 : memref<!tpu.dma_semaphore, #tpu.memory_space<semaphore_mem>>) src(%arg35 : memref<3200xf32, #tpu.memory_space<vmem>>) dst(%dma_wait3A_143 : memref<3200xf32, #tpu.memory_space<hbm>>)
        } else {
        }
        %scan3A = arith.constant 0 : i32
        %scan3A_106 = arith.constant 0 : i32
        %scan3A_107 = arith.constant 200 : i32
        %scan3A_108 = arith.addi %scan3A_106, %scan3A_107 : i32
        %scan3A_109 = arith.constant 1 : i32
        scf.for %scan3A_125 = %scan3A_106 to %scan3A_108 step %scan3A_109  : i32 {
          %mul3A_126 = arith.constant 16 : i32
          %mul3A_127 = arith.muli %scan3A_125, %mul3A_126 : i32
          %get3A = arith.index_cast %mul3A_127 : i32 to index
          %get3A_128 = tpu.vector_load %arg22[%get3A] {strides = array<i32>} : memref<3200xf32, #tpu.memory_space<vmem>>, vector<16xf32>,
          %get3A_129 = arith.index_cast %mul3A_127 : i32 to index
          %get3A_130 = tpu.vector_load %arg19[%get3A_129] {strides = array<i32>} : memref<3200xf32, #tpu.memory_space<vmem>>, vector<16xf32>,
          %sub3A_131 = arith.subf %get3A_128, %get3A_130 : vector<16xf32>
          %get3A_132 = arith.index_cast %mul3A_127 : i32 to index
          %get3A_133 = tpu.vector_load %arg23[%get3A_132] {strides = array<i32>} : memref<3200xf32, #tpu.memory_space<vmem>>, vector<16xf32>,
          %get3A_134 = arith.index_cast %mul3A_127 : i32 to index
          %get3A_135 = tpu.vector_load %arg20[%get3A_134] {strides = array<i32>} : memref<3200xf32, #tpu.memory_space<vmem>>, vector<16xf32>,
          %sub3A_136 = arith.subf %get3A_133, %get3A_135 : vector<16xf32>
          %get3A_137 = arith.index_cast %mul3A_127 : i32 to index
          %get3A_138 = tpu.vector_load %arg24[%get3A_137] {strides = array<i32>} : memref<3200xf32, #tpu.memory_space<vmem>>, vector<16xf32>,
          %get3A_139 = arith.index_cast %mul3A_127 : i32 to index
          %get3A_140 = tpu.vector_load %arg21[%get3A_139] {strides = array<i32>} : memref<3200xf32, #tpu.memory_space<vmem>>, vector<16xf32>,
          %sub3A_141 = arith.subf %get3A_138, %get3A_140 : vector<16xf32>
          %mul3A_142 = arith.mulf %sub3A_131, %sub3A_131 : vector<16xf32>
          %mul3A_143 = arith.mulf %sub3A_136, %sub3A_136 : vector<16xf32>
          %add3A_144 = arith.addf %mul3A_142, %mul3A_143 : vector<16xf32>
          %mul3A_145 = arith.mulf %sub3A_141, %sub3A_141 : vector<16xf32>
          %add3A_146 = arith.addf %add3A_144, %mul3A_145 : vector<16xf32>
          %max3A = arith.constant 1.000000e-30 : f32
          %max3A_147 = vector.broadcast %max3A : f32 to vector<16xf32>
          %max3A_148 = arith.maximumf %add3A_146, %max3A_147 : vector<16xf32>
          %bitcast3A = vector.bitcast %max3A_148 : vector<16xf32> to vector<16xi32>
          %shift_right_arithmetic3A = arith.constant 1 : i32
          %shift_right_arithmetic3A_149 = vector.broadcast %shift_right_arithmetic3A : i32 to vector<16xi32>
          %shift_right_arithmetic3A_150 = arith.shrsi %bitcast3A, %shift_right_arithmetic3A_149 : vector<16xi32>
          %sub3A_151 = arith.constant 1597463007 : i32
          %sub3A_152 = vector.broadcast %sub3A_151 : i32 to vector<16xi32>
          %sub3A_153 = arith.subi %sub3A_152, %shift_right_arithmetic3A_150 : vector<16xi32>
          %bitcast3A_154 = vector.bitcast %sub3A_153 : vector<16xi32> to vector<16xf32>
          %mul3A_155 = arith.constant 5.000000e-01 : f32
          %mul3A_156 = vector.broadcast %mul3A_155 : f32 to vector<16xf32>
          %mul3A_157 = arith.mulf %mul3A_156, %max3A_148 : vector<16xf32>
          %mul3A_158 = arith.mulf %mul3A_157, %bitcast3A_154 : vector<16xf32>
          %mul3A_159 = arith.mulf %mul3A_158, %bitcast3A_154 : vector<16xf32>
          %sub3A_160 = arith.constant 1.500000e+00 : f32
          %sub3A_161 = vector.broadcast %sub3A_160 : f32 to vector<16xf32>
          %sub3A_162 = arith.subf %sub3A_161, %mul3A_159 : vector<16xf32>
          %mul3A_163 = arith.mulf %bitcast3A_154, %sub3A_162 : vector<16xf32>
          %mul3A_164 = arith.constant 5.000000e-01 : f32
          %mul3A_165 = vector.broadcast %mul3A_164 : f32 to vector<16xf32>
          %mul3A_166 = arith.mulf %mul3A_165, %max3A_148 : vector<16xf32>
          %mul3A_167 = arith.mulf %mul3A_166, %mul3A_163 : vector<16xf32>
          %mul3A_168 = arith.mulf %mul3A_167, %mul3A_163 : vector<16xf32>
          %sub3A_169 = arith.constant 1.500000e+00 : f32
          %sub3A_170 = vector.broadcast %sub3A_169 : f32 to vector<16xf32>
          %sub3A_171 = arith.subf %sub3A_170, %mul3A_168 : vector<16xf32>
          %mul3A_172 = arith.mulf %mul3A_163, %sub3A_171 : vector<16xf32>
          %mul3A_173 = arith.constant 5.000000e-01 : f32
          %mul3A_174 = vector.broadcast %mul3A_173 : f32 to vector<16xf32>
          %mul3A_175 = arith.mulf %mul3A_174, %max3A_148 : vector<16xf32>
          %mul3A_176 = arith.mulf %mul3A_175, %mul3A_172 : vector<16xf32>
          %mul3A_177 = arith.mulf %mul3A_176, %mul3A_172 : vector<16xf32>
          %sub3A_178 = arith.constant 1.500000e+00 : f32
          %sub3A_179 = vector.broadcast %sub3A_178 : f32 to vector<16xf32>
          %sub3A_180 = arith.subf %sub3A_179, %mul3A_177 : vector<16xf32>
          %mul3A_181 = arith.mulf %mul3A_172, %sub3A_180 : vector<16xf32>
          %mul3A_182 = arith.mulf %add3A_146, %mul3A_181 : vector<16xf32>
          %lt3A_183 = arith.constant 5.000000e-01 : f32
          %lt3A_184 = vector.broadcast %lt3A_183 : f32 to vector<16xf32>
          %lt3A_185 = arith.cmpf olt, %mul3A_182, %lt3A_184 : vector<16xf32>
          %mul3A_186 = arith.constant 2.000000e+00 : f32
          %mul3A_187 = vector.broadcast %mul3A_186 : f32 to vector<16xf32>
          %mul3A_188 = arith.mulf %mul3A_182, %mul3A_187 : vector<16xf32>
          %min3A = arith.constant 1.000000e+00 : f32
          %min3A_189 = vector.broadcast %min3A : f32 to vector<16xf32>
          %min3A_190 = arith.minimumf %mul3A_188, %min3A_189 : vector<16xf32>
          %sub3A_191 = arith.constant 5.000000e-01 : f32
          %sub3A_192 = vector.broadcast %sub3A_191 : f32 to vector<16xf32>
          %sub3A_193 = arith.subf %min3A_190, %sub3A_192 : vector<16xf32>
          %mul3A_194 = arith.constant 3.14159274 : f32
          %mul3A_195 = vector.broadcast %mul3A_194 : f32 to vector<16xf32>
          %mul3A_196 = arith.mulf %sub3A_193, %mul3A_195 : vector<16xf32>
          %mul3A_197 = arith.mulf %mul3A_196, %mul3A_196 : vector<16xf32>
          %mul3A_198 = arith.constant 2.75573188E-6 : f32
          %mul3A_199 = vector.broadcast %mul3A_198 : f32 to vector<16xf32>
          %mul3A_200 = arith.mulf %mul3A_199, %mul3A_197 : vector<16xf32>
          %sub3A_201 = arith.constant 1.98412701E-4 : f32
          %sub3A_202 = vector.broadcast %sub3A_201 : f32 to vector<16xf32>
          %sub3A_203 = arith.subf %mul3A_200, %sub3A_202 : vector<16xf32>
          %mul3A_204 = arith.mulf %sub3A_203, %mul3A_197 : vector<16xf32>
          %add3A_205 = arith.constant 0.00833333377 : f32
          %add3A_206 = vector.broadcast %add3A_205 : f32 to vector<16xf32>
          %add3A_207 = arith.addf %mul3A_204, %add3A_206 : vector<16xf32>
          %mul3A_208 = arith.mulf %add3A_207, %mul3A_197 : vector<16xf32>
          %sub3A_209 = arith.constant 0.166666672 : f32
          %sub3A_210 = vector.broadcast %sub3A_209 : f32 to vector<16xf32>
          %sub3A_211 = arith.subf %mul3A_208, %sub3A_210 : vector<16xf32>
          %mul3A_212 = arith.mulf %sub3A_211, %mul3A_197 : vector<16xf32>
          %add3A_213 = arith.constant 1.000000e+00 : f32
          %add3A_214 = vector.broadcast %add3A_213 : f32 to vector<16xf32>
          %add3A_215 = arith.addf %mul3A_212, %add3A_214 : vector<16xf32>
          %mul3A_216 = arith.mulf %mul3A_196, %add3A_215 : vector<16xf32>
          %mul3A_217 = arith.constant 5.000000e-01 : f32
          %mul3A_218 = vector.broadcast %mul3A_217 : f32 to vector<16xf32>
          %mul3A_219 = arith.mulf %mul3A_218, %mul3A_216 : vector<16xf32>
          %sub3A_220 = arith.constant 5.000000e-01 : f32
          %sub3A_221 = vector.broadcast %sub3A_220 : f32 to vector<16xf32>
          %sub3A_222 = arith.subf %sub3A_221, %mul3A_219 : vector<16xf32>
          %jit3A_223 = arith.constant 0.000000e+00 : f32
          %broadcast_in_dim3A = vector.broadcast %jit3A_223 : f32 to vector<16xf32>
          %select_n3A_224 = arith.select %lt3A_185, %sub3A_222, %broadcast_in_dim3A : vector<16xi1>, vector<16xf32>
          %swap3A = arith.index_cast %mul3A_127 : i32 to index
          %swap3A_225 = tpu.vector_load %arg31[%swap3A] {strides = array<i32>} : memref<3200xf32, #tpu.memory_space<vmem>>, vector<16xf32>,
          tpu.vector_store %arg31[%swap3A], %sub3A_131 {strides = array<i32>} : memref<3200xf32, #tpu.memory_space<vmem>>, vector<16xf32>,
          %swap3A_226 = arith.index_cast %mul3A_127 : i32 to index
          %swap3A_227 = tpu.vector_load %arg32[%swap3A_226] {strides = array<i32>} : memref<3200xf32, #tpu.memory_space<vmem>>, vector<16xf32>,
          tpu.vector_store %arg32[%swap3A_226], %sub3A_136 {strides = array<i32>} : memref<3200xf32, #tpu.memory_space<vmem>>, vector<16xf32>,
          %swap3A_228 = arith.index_cast %mul3A_127 : i32 to index
          %swap3A_229 = tpu.vector_load %arg33[%swap3A_228] {strides = array<i32>} : memref<3200xf32, #tpu.memory_space<vmem>>, vector<16xf32>,
          tpu.vector_store %arg33[%swap3A_228], %sub3A_141 {strides = array<i32>} : memref<3200xf32, #tpu.memory_space<vmem>>, vector<16xf32>,
          %swap3A_230 = arith.index_cast %mul3A_127 : i32 to index
          %swap3A_231 = tpu.vector_load %arg34[%swap3A_230] {strides = array<i32>} : memref<3200xf32, #tpu.memory_space<vmem>>, vector<16xf32>,
          tpu.vector_store %arg34[%swap3A_230], %mul3A_182 {strides = array<i32>} : memref<3200xf32, #tpu.memory_space<vmem>>, vector<16xf32>,
          %swap3A_232 = arith.index_cast %mul3A_127 : i32 to index
          %swap3A_233 = tpu.vector_load %arg35[%swap3A_232] {strides = array<i32>} : memref<3200xf32, #tpu.memory_space<vmem>>, vector<16xf32>,
          tpu.vector_store %arg35[%swap3A_232], %select_n3A_224 {strides = array<i32>} : memref<3200xf32, #tpu.memory_space<vmem>>, vector<16xf32>,
        }
        %scan3A_110 = arith.constant 200 : i32
        %mul3A_111 = arith.constant 32 : i32
        %mul3A_112 = arith.muli %mul3A_56, %mul3A_111 : i32
        %add3A_113 = arith.addi %mul3A_112, %add3A : i32
        %mul3A_114 = arith.constant 3200 : i32
        %mul3A_115 = arith.muli %add3A_113, %mul3A_114 : i32
        %dma_start3A = tpu.memref_slice %arg7[%mul3A_115] : memref<6400000xf32, #tpu.memory_space<hbm>> -> memref<3200xf32, #tpu.memory_space<hbm>>
        %dma_start3A_116 = tpu.memref_slice %arg7[%mul3A_115] : memref<6400000xf32, #tpu.memory_space<hbm>> -> memref<3200xf32, #tpu.memory_space<hbm>>
        tpu.enqueue_dma source(%arg31 : memref<3200xf32, #tpu.memory_space<vmem>>) target(%dma_start3A_116 : memref<3200xf32, #tpu.memory_space<hbm>>) target_semaphore(%arg45 : memref<!tpu.dma_semaphore, #tpu.memory_space<semaphore_mem>>)
        %dma_start3A_117 = tpu.memref_slice %arg8[%mul3A_115] : memref<6400000xf32, #tpu.memory_space<hbm>> -> memref<3200xf32, #tpu.memory_space<hbm>>
        %dma_start3A_118 = tpu.memref_slice %arg8[%mul3A_115] : memref<6400000xf32, #tpu.memory_space<hbm>> -> memref<3200xf32, #tpu.memory_space<hbm>>
        tpu.enqueue_dma source(%arg32 : memref<3200xf32, #tpu.memory_space<vmem>>) target(%dma_start3A_118 : memref<3200xf32, #tpu.memory_space<hbm>>) target_semaphore(%arg45 : memref<!tpu.dma_semaphore, #tpu.memory_space<semaphore_mem>>)
        %dma_start3A_119 = tpu.memref_slice %arg9[%mul3A_115] : memref<6400000xf32, #tpu.memory_space<hbm>> -> memref<3200xf32, #tpu.memory_space<hbm>>
        %dma_start3A_120 = tpu.memref_slice %arg9[%mul3A_115] : memref<6400000xf32, #tpu.memory_space<hbm>> -> memref<3200xf32, #tpu.memory_space<hbm>>
        tpu.enqueue_dma source(%arg33 : memref<3200xf32, #tpu.memory_space<vmem>>) target(%dma_start3A_120 : memref<3200xf32, #tpu.memory_space<hbm>>) target_semaphore(%arg45 : memref<!tpu.dma_semaphore, #tpu.memory_space<semaphore_mem>>)
        %dma_start3A_121 = tpu.memref_slice %arg10[%mul3A_115] : memref<6400000xf32, #tpu.memory_space<hbm>> -> memref<3200xf32, #tpu.memory_space<hbm>>
        %dma_start3A_122 = tpu.memref_slice %arg10[%mul3A_115] : memref<6400000xf32, #tpu.memory_space<hbm>> -> memref<3200xf32, #tpu.memory_space<hbm>>
        tpu.enqueue_dma source(%arg34 : memref<3200xf32, #tpu.memory_space<vmem>>) target(%dma_start3A_122 : memref<3200xf32, #tpu.memory_space<hbm>>) target_semaphore(%arg45 : memref<!tpu.dma_semaphore, #tpu.memory_space<semaphore_mem>>)
        %dma_start3A_123 = tpu.memref_slice %arg11[%mul3A_115] : memref<6400000xf32, #tpu.memory_space<hbm>> -> memref<3200xf32, #tpu.memory_space<hbm>>
        %dma_start3A_124 = tpu.memref_slice %arg11[%mul3A_115] : memref<6400000xf32, #tpu.memory_space<hbm>> -> memref<3200xf32, #tpu.memory_space<hbm>>
        tpu.enqueue_dma source(%arg35 : memref<3200xf32, #tpu.memory_space<vmem>>) target(%dma_start3A_124 : memref<3200xf32, #tpu.memory_space<hbm>>) target_semaphore(%arg45 : memref<!tpu.dma_semaphore, #tpu.memory_space<semaphore_mem>>)
      } else {
      }
      %mul3A_77 = arith.constant 2 : i32
      %mul3A_78 = arith.muli %mul3A_77, %while3A_54 : i32
      %add3A_79 = arith.constant 1 : i32
      %add3A_80 = arith.addi %mul3A_78, %add3A_79 : i32
      %add3A_81 = arith.constant 1 : i32
      %add3A_82 = arith.addi %add3A_80, %add3A_81 : i32
      %lt3A_83 = arith.cmpi slt, %add3A_82, %add3A_6 : i32
      %convert_element_type3A_84 = arith.extui %lt3A_83 : i1 to i32
      %cond3A_85 = arith.constant 0 : i32
      %cond3A_86 = arith.cmpi ne, %convert_element_type3A_84, %cond3A_85 : i32
      scf.if %cond3A_86 {
        %dma_wait3A = arith.constant 0 : i32
        %dma_wait3A_101 = tpu.memref_slice %arg5[%dma_wait3A] : memref<6400000xi32, #tpu.memory_space<hbm>> -> memref<3200xi32, #tpu.memory_space<hbm>>
        %dma_wait3A_102 = arith.constant 0 : i32
        %dma_wait3A_103 = tpu.memref_slice %arg5[%dma_wait3A_102] : memref<6400000xi32, #tpu.memory_space<hbm>> -> memref<3200xi32, #tpu.memory_space<hbm>>
        tpu.wait_dma2 semaphore(%arg41 : memref<!tpu.dma_semaphore, #tpu.memory_space<semaphore_mem>>) src(%dma_wait3A_103 : memref<3200xi32, #tpu.memory_space<hbm>>) dst(%arg15 : memref<3200xi32, #tpu.memory_space<vmem>>)
        %dma_wait3A_104 = arith.constant 0 : i32
        %dma_wait3A_105 = tpu.memref_slice %arg6[%dma_wait3A_104] : memref<6400000xi32, #tpu.memory_space<hbm>> -> memref<3200xi32, #tpu.memory_space<hbm>>
        %dma_wait3A_106 = arith.constant 0 : i32
        %dma_wait3A_107 = tpu.memref_slice %arg6[%dma_wait3A_106] : memref<6400000xi32, #tpu.memory_space<hbm>> -> memref<3200xi32, #tpu.memory_space<hbm>>
        tpu.wait_dma2 semaphore(%arg41 : memref<!tpu.dma_semaphore, #tpu.memory_space<semaphore_mem>>) src(%dma_wait3A_107 : memref<3200xi32, #tpu.memory_space<hbm>>) dst(%arg16 : memref<3200xi32, #tpu.memory_space<vmem>>)
        %dma_start3A = arith.constant 0 : i32
        %dma_start3A_108 = tpu.memref_slice %arg12[%dma_start3A] : memref<100000xf32, #tpu.memory_space<vmem_shared>> -> memref<100000xf32, #tpu.memory_space<vmem_shared>>
        tpu.enqueue_indirect_dma source(%dma_start3A_108 : memref<100000xf32, #tpu.memory_space<vmem_shared>>) target(%arg19 : memref<3200xf32, #tpu.memory_space<vmem>>) offsets(%arg15 : memref<3200xi32, #tpu.memory_space<vmem>>) semaphore(%arg43 : memref<!tpu.dma_semaphore, #tpu.memory_space<semaphore_mem>>)
        %dma_start3A_109 = arith.constant 0 : i32
        %dma_start3A_110 = tpu.memref_slice %arg13[%dma_start3A_109] : memref<100000xf32, #tpu.memory_space<vmem_shared>> -> memref<100000xf32, #tpu.memory_space<vmem_shared>>
        tpu.enqueue_indirect_dma source(%dma_start3A_110 : memref<100000xf32, #tpu.memory_space<vmem_shared>>) target(%arg20 : memref<3200xf32, #tpu.memory_space<vmem>>) offsets(%arg15 : memref<3200xi32, #tpu.memory_space<vmem>>) semaphore(%arg43 : memref<!tpu.dma_semaphore, #tpu.memory_space<semaphore_mem>>)
        %dma_start3A_111 = arith.constant 0 : i32
        %dma_start3A_112 = tpu.memref_slice %arg14[%dma_start3A_111] : memref<100000xf32, #tpu.memory_space<vmem_shared>> -> memref<100000xf32, #tpu.memory_space<vmem_shared>>
        tpu.enqueue_indirect_dma source(%dma_start3A_112 : memref<100000xf32, #tpu.memory_space<vmem_shared>>) target(%arg21 : memref<3200xf32, #tpu.memory_space<vmem>>) offsets(%arg15 : memref<3200xi32, #tpu.memory_space<vmem>>) semaphore(%arg43 : memref<!tpu.dma_semaphore, #tpu.memory_space<semaphore_mem>>)
        %dma_start3A_113 = arith.constant 0 : i32
        %dma_start3A_114 = tpu.memref_slice %arg12[%dma_start3A_113] : memref<100000xf32, #tpu.memory_space<vmem_shared>> -> memref<100000xf32, #tpu.memory_space<vmem_shared>>
        tpu.enqueue_indirect_dma source(%dma_start3A_114 : memref<100000xf32, #tpu.memory_space<vmem_shared>>) target(%arg22 : memref<3200xf32, #tpu.memory_space<vmem>>) offsets(%arg16 : memref<3200xi32, #tpu.memory_space<vmem>>) semaphore(%arg43 : memref<!tpu.dma_semaphore, #tpu.memory_space<semaphore_mem>>)
        %dma_start3A_115 = arith.constant 0 : i32
        %dma_start3A_116 = tpu.memref_slice %arg13[%dma_start3A_115] : memref<100000xf32, #tpu.memory_space<vmem_shared>> -> memref<100000xf32, #tpu.memory_space<vmem_shared>>
        tpu.enqueue_indirect_dma source(%dma_start3A_116 : memref<100000xf32, #tpu.memory_space<vmem_shared>>) target(%arg23 : memref<3200xf32, #tpu.memory_space<vmem>>) offsets(%arg16 : memref<3200xi32, #tpu.memory_space<vmem>>) semaphore(%arg43 : memref<!tpu.dma_semaphore, #tpu.memory_space<semaphore_mem>>)
        %dma_start3A_117 = arith.constant 0 : i32
        %dma_start3A_118 = tpu.memref_slice %arg14[%dma_start3A_117] : memref<100000xf32, #tpu.memory_space<vmem_shared>> -> memref<100000xf32, #tpu.memory_space<vmem_shared>>
        tpu.enqueue_indirect_dma source(%dma_start3A_118 : memref<100000xf32, #tpu.memory_space<vmem_shared>>) target(%arg24 : memref<3200xf32, #tpu.memory_space<vmem>>) offsets(%arg16 : memref<3200xi32, #tpu.memory_space<vmem>>) semaphore(%arg43 : memref<!tpu.dma_semaphore, #tpu.memory_space<semaphore_mem>>)
      } else {
      }
      %lt3A_87 = arith.cmpi slt, %add3A_80, %add3A_6 : i32
      %convert_element_type3A_88 = arith.extui %lt3A_87 : i1 to i32
      %cond3A_89 = arith.constant 0 : i32
      %cond3A_90 = arith.cmpi ne, %convert_element_type3A_88, %cond3A_89 : i32
      scf.if %cond3A_90 {
        %dma_wait3A = arith.constant 0 : i32
        %dma_wait3A_101 = tpu.memref_slice %arg12[%dma_wait3A] : memref<100000xf32, #tpu.memory_space<vmem_shared>> -> memref<100000xf32, #tpu.memory_space<vmem_shared>>
        tpu.wait_indirect_dma semaphore(%arg44 : memref<!tpu.dma_semaphore, #tpu.memory_space<semaphore_mem>>) src(%dma_wait3A_101 : memref<100000xf32, #tpu.memory_space<vmem_shared>>) dst(%arg25 : memref<3200xf32, #tpu.memory_space<vmem>>)
        %dma_wait3A_102 = arith.constant 0 : i32
        %dma_wait3A_103 = tpu.memref_slice %arg13[%dma_wait3A_102] : memref<100000xf32, #tpu.memory_space<vmem_shared>> -> memref<100000xf32, #tpu.memory_space<vmem_shared>>
        tpu.wait_indirect_dma semaphore(%arg44 : memref<!tpu.dma_semaphore, #tpu.memory_space<semaphore_mem>>) src(%dma_wait3A_103 : memref<100000xf32, #tpu.memory_space<vmem_shared>>) dst(%arg26 : memref<3200xf32, #tpu.memory_space<vmem>>)
        %dma_wait3A_104 = arith.constant 0 : i32
        %dma_wait3A_105 = tpu.memref_slice %arg14[%dma_wait3A_104] : memref<100000xf32, #tpu.memory_space<vmem_shared>> -> memref<100000xf32, #tpu.memory_space<vmem_shared>>
        tpu.wait_indirect_dma semaphore(%arg44 : memref<!tpu.dma_semaphore, #tpu.memory_space<semaphore_mem>>) src(%dma_wait3A_105 : memref<100000xf32, #tpu.memory_space<vmem_shared>>) dst(%arg27 : memref<3200xf32, #tpu.memory_space<vmem>>)
        %dma_wait3A_106 = arith.constant 0 : i32
        %dma_wait3A_107 = tpu.memref_slice %arg12[%dma_wait3A_106] : memref<100000xf32, #tpu.memory_space<vmem_shared>> -> memref<100000xf32, #tpu.memory_space<vmem_shared>>
        tpu.wait_indirect_dma semaphore(%arg44 : memref<!tpu.dma_semaphore, #tpu.memory_space<semaphore_mem>>) src(%dma_wait3A_107 : memref<100000xf32, #tpu.memory_space<vmem_shared>>) dst(%arg28 : memref<3200xf32, #tpu.memory_space<vmem>>)
        %dma_wait3A_108 = arith.constant 0 : i32
        %dma_wait3A_109 = tpu.memref_slice %arg13[%dma_wait3A_108] : memref<100000xf32, #tpu.memory_space<vmem_shared>> -> memref<100000xf32, #tpu.memory_space<vmem_shared>>
        tpu.wait_indirect_dma semaphore(%arg44 : memref<!tpu.dma_semaphore, #tpu.memory_space<semaphore_mem>>) src(%dma_wait3A_109 : memref<100000xf32, #tpu.memory_space<vmem_shared>>) dst(%arg29 : memref<3200xf32, #tpu.memory_space<vmem>>)
        %dma_wait3A_110 = arith.constant 0 : i32
        %dma_wait3A_111 = tpu.memref_slice %arg14[%dma_wait3A_110] : memref<100000xf32, #tpu.memory_space<vmem_shared>> -> memref<100000xf32, #tpu.memory_space<vmem_shared>>
        tpu.wait_indirect_dma semaphore(%arg44 : memref<!tpu.dma_semaphore, #tpu.memory_space<semaphore_mem>>) src(%dma_wait3A_111 : memref<100000xf32, #tpu.memory_space<vmem_shared>>) dst(%arg30 : memref<3200xf32, #tpu.memory_space<vmem>>)
      } else {
      }
      %add3A_91 = arith.constant 2 : i32
      %add3A_92 = arith.addi %add3A_80, %add3A_91 : i32
      %lt3A_93 = arith.cmpi slt, %add3A_92, %add3A_6 : i32
      %convert_element_type3A_94 = arith.extui %lt3A_93 : i1 to i32
      %cond3A_95 = arith.constant 0 : i32
      %cond3A_96 = arith.cmpi ne, %convert_element_type3A_94, %cond3A_95 : i32
      scf.if %cond3A_96 {
        %add3A_101 = arith.constant 2 : i32
        %add3A_102 = arith.addi %add3A_80, %add3A_101 : i32
        %mul3A_103 = arith.constant 32 : i32
        %mul3A_104 = arith.muli %add3A_102, %mul3A_103 : i32
        %add3A_105 = arith.addi %mul3A_104, %add3A : i32
        %mul3A_106 = arith.constant 3200 : i32
        %mul3A_107 = arith.muli %add3A_105, %mul3A_106 : i32
        %dma_start3A = tpu.memref_slice %arg5[%mul3A_107] : memref<6400000xi32, #tpu.memory_space<hbm>> -> memref<3200xi32, #tpu.memory_space<hbm>>
        %dma_start3A_108 = tpu.memref_slice %arg5[%mul3A_107] : memref<6400000xi32, #tpu.memory_space<hbm>> -> memref<3200xi32, #tpu.memory_space<hbm>>
        tpu.enqueue_dma source(%dma_start3A_108 : memref<3200xi32, #tpu.memory_space<hbm>>) target(%arg17 : memref<3200xi32, #tpu.memory_space<vmem>>) target_semaphore(%arg42 : memref<!tpu.dma_semaphore, #tpu.memory_space<semaphore_mem>>)
        %dma_start3A_109 = tpu.memref_slice %arg6[%mul3A_107] : memref<6400000xi32, #tpu.memory_space<hbm>> -> memref<3200xi32, #tpu.memory_space<hbm>>
        %dma_start3A_110 = tpu.memref_slice %arg6[%mul3A_107] : memref<6400000xi32, #tpu.memory_space<hbm>> -> memref<3200xi32, #tpu.memory_space<hbm>>
        tpu.enqueue_dma source(%dma_start3A_110 : memref<3200xi32, #tpu.memory_space<hbm>>) target(%arg18 : memref<3200xi32, #tpu.memory_space<vmem>>) target_semaphore(%arg42 : memref<!tpu.dma_semaphore, #tpu.memory_space<semaphore_mem>>)
      } else {
      }
      %lt3A_97 = arith.cmpi slt, %add3A_80, %add3A_6 : i32
      %convert_element_type3A_98 = arith.extui %lt3A_97 : i1 to i32
      %cond3A_99 = arith.constant 0 : i32
      %cond3A_100 = arith.cmpi ne, %convert_element_type3A_98, %cond3A_99 : i32
      scf.if %cond3A_100 {
        %ge3A_101 = arith.constant 2 : i32
        %ge3A_102 = arith.cmpi sge, %add3A_80, %ge3A_101 : i32
        %convert_element_type3A_103 = arith.extui %ge3A_102 : i1 to i32
        %cond3A_104 = arith.constant 0 : i32
        %cond3A_105 = arith.cmpi ne, %convert_element_type3A_103, %cond3A_104 : i32
        scf.if %cond3A_105 {
          %dma_wait3A = arith.constant 0 : i32
          %dma_wait3A_125 = tpu.memref_slice %arg7[%dma_wait3A] : memref<6400000xf32, #tpu.memory_space<hbm>> -> memref<3200xf32, #tpu.memory_space<hbm>>
          %dma_wait3A_126 = arith.constant 0 : i32
          %dma_wait3A_127 = tpu.memref_slice %arg7[%dma_wait3A_126] : memref<6400000xf32, #tpu.memory_space<hbm>> -> memref<3200xf32, #tpu.memory_space<hbm>>
          tpu.wait_dma2 semaphore(%arg46 : memref<!tpu.dma_semaphore, #tpu.memory_space<semaphore_mem>>) src(%arg36 : memref<3200xf32, #tpu.memory_space<vmem>>) dst(%dma_wait3A_127 : memref<3200xf32, #tpu.memory_space<hbm>>)
          %dma_wait3A_128 = arith.constant 0 : i32
          %dma_wait3A_129 = tpu.memref_slice %arg8[%dma_wait3A_128] : memref<6400000xf32, #tpu.memory_space<hbm>> -> memref<3200xf32, #tpu.memory_space<hbm>>
          %dma_wait3A_130 = arith.constant 0 : i32
          %dma_wait3A_131 = tpu.memref_slice %arg8[%dma_wait3A_130] : memref<6400000xf32, #tpu.memory_space<hbm>> -> memref<3200xf32, #tpu.memory_space<hbm>>
          tpu.wait_dma2 semaphore(%arg46 : memref<!tpu.dma_semaphore, #tpu.memory_space<semaphore_mem>>) src(%arg37 : memref<3200xf32, #tpu.memory_space<vmem>>) dst(%dma_wait3A_131 : memref<3200xf32, #tpu.memory_space<hbm>>)
          %dma_wait3A_132 = arith.constant 0 : i32
          %dma_wait3A_133 = tpu.memref_slice %arg9[%dma_wait3A_132] : memref<6400000xf32, #tpu.memory_space<hbm>> -> memref<3200xf32, #tpu.memory_space<hbm>>
          %dma_wait3A_134 = arith.constant 0 : i32
          %dma_wait3A_135 = tpu.memref_slice %arg9[%dma_wait3A_134] : memref<6400000xf32, #tpu.memory_space<hbm>> -> memref<3200xf32, #tpu.memory_space<hbm>>
          tpu.wait_dma2 semaphore(%arg46 : memref<!tpu.dma_semaphore, #tpu.memory_space<semaphore_mem>>) src(%arg38 : memref<3200xf32, #tpu.memory_space<vmem>>) dst(%dma_wait3A_135 : memref<3200xf32, #tpu.memory_space<hbm>>)
          %dma_wait3A_136 = arith.constant 0 : i32
          %dma_wait3A_137 = tpu.memref_slice %arg10[%dma_wait3A_136] : memref<6400000xf32, #tpu.memory_space<hbm>> -> memref<3200xf32, #tpu.memory_space<hbm>>
          %dma_wait3A_138 = arith.constant 0 : i32
          %dma_wait3A_139 = tpu.memref_slice %arg10[%dma_wait3A_138] : memref<6400000xf32, #tpu.memory_space<hbm>> -> memref<3200xf32, #tpu.memory_space<hbm>>
          tpu.wait_dma2 semaphore(%arg46 : memref<!tpu.dma_semaphore, #tpu.memory_space<semaphore_mem>>) src(%arg39 : memref<3200xf32, #tpu.memory_space<vmem>>) dst(%dma_wait3A_139 : memref<3200xf32, #tpu.memory_space<hbm>>)
          %dma_wait3A_140 = arith.constant 0 : i32
          %dma_wait3A_141 = tpu.memref_slice %arg11[%dma_wait3A_140] : memref<6400000xf32, #tpu.memory_space<hbm>> -> memref<3200xf32, #tpu.memory_space<hbm>>
          %dma_wait3A_142 = arith.constant 0 : i32
          %dma_wait3A_143 = tpu.memref_slice %arg11[%dma_wait3A_142] : memref<6400000xf32, #tpu.memory_space<hbm>> -> memref<3200xf32, #tpu.memory_space<hbm>>
          tpu.wait_dma2 semaphore(%arg46 : memref<!tpu.dma_semaphore, #tpu.memory_space<semaphore_mem>>) src(%arg40 : memref<3200xf32, #tpu.memory_space<vmem>>) dst(%dma_wait3A_143 : memref<3200xf32, #tpu.memory_space<hbm>>)
        } else {
        }
        %scan3A = arith.constant 0 : i32
        %scan3A_106 = arith.constant 0 : i32
        %scan3A_107 = arith.constant 200 : i32
        %scan3A_108 = arith.addi %scan3A_106, %scan3A_107 : i32
        %scan3A_109 = arith.constant 1 : i32
        scf.for %scan3A_125 = %scan3A_106 to %scan3A_108 step %scan3A_109  : i32 {
          %mul3A_126 = arith.constant 16 : i32
          %mul3A_127 = arith.muli %scan3A_125, %mul3A_126 : i32
          %get3A = arith.index_cast %mul3A_127 : i32 to index
          %get3A_128 = tpu.vector_load %arg28[%get3A] {strides = array<i32>} : memref<3200xf32, #tpu.memory_space<vmem>>, vector<16xf32>,
          %get3A_129 = arith.index_cast %mul3A_127 : i32 to index
          %get3A_130 = tpu.vector_load %arg25[%get3A_129] {strides = array<i32>} : memref<3200xf32, #tpu.memory_space<vmem>>, vector<16xf32>,
          %sub3A_131 = arith.subf %get3A_128, %get3A_130 : vector<16xf32>
          %get3A_132 = arith.index_cast %mul3A_127 : i32 to index
          %get3A_133 = tpu.vector_load %arg29[%get3A_132] {strides = array<i32>} : memref<3200xf32, #tpu.memory_space<vmem>>, vector<16xf32>,
          %get3A_134 = arith.index_cast %mul3A_127 : i32 to index
          %get3A_135 = tpu.vector_load %arg26[%get3A_134] {strides = array<i32>} : memref<3200xf32, #tpu.memory_space<vmem>>, vector<16xf32>,
          %sub3A_136 = arith.subf %get3A_133, %get3A_135 : vector<16xf32>
          %get3A_137 = arith.index_cast %mul3A_127 : i32 to index
          %get3A_138 = tpu.vector_load %arg30[%get3A_137] {strides = array<i32>} : memref<3200xf32, #tpu.memory_space<vmem>>, vector<16xf32>,
          %get3A_139 = arith.index_cast %mul3A_127 : i32 to index
          %get3A_140 = tpu.vector_load %arg27[%get3A_139] {strides = array<i32>} : memref<3200xf32, #tpu.memory_space<vmem>>, vector<16xf32>,
          %sub3A_141 = arith.subf %get3A_138, %get3A_140 : vector<16xf32>
          %mul3A_142 = arith.mulf %sub3A_131, %sub3A_131 : vector<16xf32>
          %mul3A_143 = arith.mulf %sub3A_136, %sub3A_136 : vector<16xf32>
          %add3A_144 = arith.addf %mul3A_142, %mul3A_143 : vector<16xf32>
          %mul3A_145 = arith.mulf %sub3A_141, %sub3A_141 : vector<16xf32>
          %add3A_146 = arith.addf %add3A_144, %mul3A_145 : vector<16xf32>
          %max3A = arith.constant 1.000000e-30 : f32
          %max3A_147 = vector.broadcast %max3A : f32 to vector<16xf32>
          %max3A_148 = arith.maximumf %add3A_146, %max3A_147 : vector<16xf32>
          %bitcast3A = vector.bitcast %max3A_148 : vector<16xf32> to vector<16xi32>
          %shift_right_arithmetic3A = arith.constant 1 : i32
          %shift_right_arithmetic3A_149 = vector.broadcast %shift_right_arithmetic3A : i32 to vector<16xi32>
          %shift_right_arithmetic3A_150 = arith.shrsi %bitcast3A, %shift_right_arithmetic3A_149 : vector<16xi32>
          %sub3A_151 = arith.constant 1597463007 : i32
          %sub3A_152 = vector.broadcast %sub3A_151 : i32 to vector<16xi32>
          %sub3A_153 = arith.subi %sub3A_152, %shift_right_arithmetic3A_150 : vector<16xi32>
          %bitcast3A_154 = vector.bitcast %sub3A_153 : vector<16xi32> to vector<16xf32>
          %mul3A_155 = arith.constant 5.000000e-01 : f32
          %mul3A_156 = vector.broadcast %mul3A_155 : f32 to vector<16xf32>
          %mul3A_157 = arith.mulf %mul3A_156, %max3A_148 : vector<16xf32>
          %mul3A_158 = arith.mulf %mul3A_157, %bitcast3A_154 : vector<16xf32>
          %mul3A_159 = arith.mulf %mul3A_158, %bitcast3A_154 : vector<16xf32>
          %sub3A_160 = arith.constant 1.500000e+00 : f32
          %sub3A_161 = vector.broadcast %sub3A_160 : f32 to vector<16xf32>
          %sub3A_162 = arith.subf %sub3A_161, %mul3A_159 : vector<16xf32>
          %mul3A_163 = arith.mulf %bitcast3A_154, %sub3A_162 : vector<16xf32>
          %mul3A_164 = arith.constant 5.000000e-01 : f32
          %mul3A_165 = vector.broadcast %mul3A_164 : f32 to vector<16xf32>
          %mul3A_166 = arith.mulf %mul3A_165, %max3A_148 : vector<16xf32>
          %mul3A_167 = arith.mulf %mul3A_166, %mul3A_163 : vector<16xf32>
          %mul3A_168 = arith.mulf %mul3A_167, %mul3A_163 : vector<16xf32>
          %sub3A_169 = arith.constant 1.500000e+00 : f32
          %sub3A_170 = vector.broadcast %sub3A_169 : f32 to vector<16xf32>
          %sub3A_171 = arith.subf %sub3A_170, %mul3A_168 : vector<16xf32>
          %mul3A_172 = arith.mulf %mul3A_163, %sub3A_171 : vector<16xf32>
          %mul3A_173 = arith.constant 5.000000e-01 : f32
          %mul3A_174 = vector.broadcast %mul3A_173 : f32 to vector<16xf32>
          %mul3A_175 = arith.mulf %mul3A_174, %max3A_148 : vector<16xf32>
          %mul3A_176 = arith.mulf %mul3A_175, %mul3A_172 : vector<16xf32>
          %mul3A_177 = arith.mulf %mul3A_176, %mul3A_172 : vector<16xf32>
          %sub3A_178 = arith.constant 1.500000e+00 : f32
          %sub3A_179 = vector.broadcast %sub3A_178 : f32 to vector<16xf32>
          %sub3A_180 = arith.subf %sub3A_179, %mul3A_177 : vector<16xf32>
          %mul3A_181 = arith.mulf %mul3A_172, %sub3A_180 : vector<16xf32>
          %mul3A_182 = arith.mulf %add3A_146, %mul3A_181 : vector<16xf32>
          %lt3A_183 = arith.constant 5.000000e-01 : f32
          %lt3A_184 = vector.broadcast %lt3A_183 : f32 to vector<16xf32>
          %lt3A_185 = arith.cmpf olt, %mul3A_182, %lt3A_184 : vector<16xf32>
          %mul3A_186 = arith.constant 2.000000e+00 : f32
          %mul3A_187 = vector.broadcast %mul3A_186 : f32 to vector<16xf32>
          %mul3A_188 = arith.mulf %mul3A_182, %mul3A_187 : vector<16xf32>
          %min3A = arith.constant 1.000000e+00 : f32
          %min3A_189 = vector.broadcast %min3A : f32 to vector<16xf32>
          %min3A_190 = arith.minimumf %mul3A_188, %min3A_189 : vector<16xf32>
          %sub3A_191 = arith.constant 5.000000e-01 : f32
          %sub3A_192 = vector.broadcast %sub3A_191 : f32 to vector<16xf32>
          %sub3A_193 = arith.subf %min3A_190, %sub3A_192 : vector<16xf32>
          %mul3A_194 = arith.constant 3.14159274 : f32
          %mul3A_195 = vector.broadcast %mul3A_194 : f32 to vector<16xf32>
          %mul3A_196 = arith.mulf %sub3A_193, %mul3A_195 : vector<16xf32>
          %mul3A_197 = arith.mulf %mul3A_196, %mul3A_196 : vector<16xf32>
          %mul3A_198 = arith.constant 2.75573188E-6 : f32
          %mul3A_199 = vector.broadcast %mul3A_198 : f32 to vector<16xf32>
          %mul3A_200 = arith.mulf %mul3A_199, %mul3A_197 : vector<16xf32>
          %sub3A_201 = arith.constant 1.98412701E-4 : f32
          %sub3A_202 = vector.broadcast %sub3A_201 : f32 to vector<16xf32>
          %sub3A_203 = arith.subf %mul3A_200, %sub3A_202 : vector<16xf32>
          %mul3A_204 = arith.mulf %sub3A_203, %mul3A_197 : vector<16xf32>
          %add3A_205 = arith.constant 0.00833333377 : f32
          %add3A_206 = vector.broadcast %add3A_205 : f32 to vector<16xf32>
          %add3A_207 = arith.addf %mul3A_204, %add3A_206 : vector<16xf32>
          %mul3A_208 = arith.mulf %add3A_207, %mul3A_197 : vector<16xf32>
          %sub3A_209 = arith.constant 0.166666672 : f32
          %sub3A_210 = vector.broadcast %sub3A_209 : f32 to vector<16xf32>
          %sub3A_211 = arith.subf %mul3A_208, %sub3A_210 : vector<16xf32>
          %mul3A_212 = arith.mulf %sub3A_211, %mul3A_197 : vector<16xf32>
          %add3A_213 = arith.constant 1.000000e+00 : f32
          %add3A_214 = vector.broadcast %add3A_213 : f32 to vector<16xf32>
          %add3A_215 = arith.addf %mul3A_212, %add3A_214 : vector<16xf32>
          %mul3A_216 = arith.mulf %mul3A_196, %add3A_215 : vector<16xf32>
          %mul3A_217 = arith.constant 5.000000e-01 : f32
          %mul3A_218 = vector.broadcast %mul3A_217 : f32 to vector<16xf32>
          %mul3A_219 = arith.mulf %mul3A_218, %mul3A_216 : vector<16xf32>
          %sub3A_220 = arith.constant 5.000000e-01 : f32
          %sub3A_221 = vector.broadcast %sub3A_220 : f32 to vector<16xf32>
          %sub3A_222 = arith.subf %sub3A_221, %mul3A_219 : vector<16xf32>
          %jit3A_223 = arith.constant 0.000000e+00 : f32
          %broadcast_in_dim3A = vector.broadcast %jit3A_223 : f32 to vector<16xf32>
          %select_n3A_224 = arith.select %lt3A_185, %sub3A_222, %broadcast_in_dim3A : vector<16xi1>, vector<16xf32>
          %swap3A = arith.index_cast %mul3A_127 : i32 to index
          %swap3A_225 = tpu.vector_load %arg36[%swap3A] {strides = array<i32>} : memref<3200xf32, #tpu.memory_space<vmem>>, vector<16xf32>,
          tpu.vector_store %arg36[%swap3A], %sub3A_131 {strides = array<i32>} : memref<3200xf32, #tpu.memory_space<vmem>>, vector<16xf32>,
          %swap3A_226 = arith.index_cast %mul3A_127 : i32 to index
          %swap3A_227 = tpu.vector_load %arg37[%swap3A_226] {strides = array<i32>} : memref<3200xf32, #tpu.memory_space<vmem>>, vector<16xf32>,
          tpu.vector_store %arg37[%swap3A_226], %sub3A_136 {strides = array<i32>} : memref<3200xf32, #tpu.memory_space<vmem>>, vector<16xf32>,
          %swap3A_228 = arith.index_cast %mul3A_127 : i32 to index
          %swap3A_229 = tpu.vector_load %arg38[%swap3A_228] {strides = array<i32>} : memref<3200xf32, #tpu.memory_space<vmem>>, vector<16xf32>,
          tpu.vector_store %arg38[%swap3A_228], %sub3A_141 {strides = array<i32>} : memref<3200xf32, #tpu.memory_space<vmem>>, vector<16xf32>,
          %swap3A_230 = arith.index_cast %mul3A_127 : i32 to index
          %swap3A_231 = tpu.vector_load %arg39[%swap3A_230] {strides = array<i32>} : memref<3200xf32, #tpu.memory_space<vmem>>, vector<16xf32>,
          tpu.vector_store %arg39[%swap3A_230], %mul3A_182 {strides = array<i32>} : memref<3200xf32, #tpu.memory_space<vmem>>, vector<16xf32>,
          %swap3A_232 = arith.index_cast %mul3A_127 : i32 to index
          %swap3A_233 = tpu.vector_load %arg40[%swap3A_232] {strides = array<i32>} : memref<3200xf32, #tpu.memory_space<vmem>>, vector<16xf32>,
          tpu.vector_store %arg40[%swap3A_232], %select_n3A_224 {strides = array<i32>} : memref<3200xf32, #tpu.memory_space<vmem>>, vector<16xf32>,
        }
        %scan3A_110 = arith.constant 200 : i32
        %mul3A_111 = arith.constant 32 : i32
        %mul3A_112 = arith.muli %add3A_80, %mul3A_111 : i32
        %add3A_113 = arith.addi %mul3A_112, %add3A : i32
        %mul3A_114 = arith.constant 3200 : i32
        %mul3A_115 = arith.muli %add3A_113, %mul3A_114 : i32
        %dma_start3A = tpu.memref_slice %arg7[%mul3A_115] : memref<6400000xf32, #tpu.memory_space<hbm>> -> memref<3200xf32, #tpu.memory_space<hbm>>
        %dma_start3A_116 = tpu.memref_slice %arg7[%mul3A_115] : memref<6400000xf32, #tpu.memory_space<hbm>> -> memref<3200xf32, #tpu.memory_space<hbm>>
        tpu.enqueue_dma source(%arg36 : memref<3200xf32, #tpu.memory_space<vmem>>) target(%dma_start3A_116 : memref<3200xf32, #tpu.memory_space<hbm>>) target_semaphore(%arg46 : memref<!tpu.dma_semaphore, #tpu.memory_space<semaphore_mem>>)
        %dma_start3A_117 = tpu.memref_slice %arg8[%mul3A_115] : memref<6400000xf32, #tpu.memory_space<hbm>> -> memref<3200xf32, #tpu.memory_space<hbm>>
        %dma_start3A_118 = tpu.memref_slice %arg8[%mul3A_115] : memref<6400000xf32, #tpu.memory_space<hbm>> -> memref<3200xf32, #tpu.memory_space<hbm>>
        tpu.enqueue_dma source(%arg37 : memref<3200xf32, #tpu.memory_space<vmem>>) target(%dma_start3A_118 : memref<3200xf32, #tpu.memory_space<hbm>>) target_semaphore(%arg46 : memref<!tpu.dma_semaphore, #tpu.memory_space<semaphore_mem>>)
        %dma_start3A_119 = tpu.memref_slice %arg9[%mul3A_115] : memref<6400000xf32, #tpu.memory_space<hbm>> -> memref<3200xf32, #tpu.memory_space<hbm>>
        %dma_start3A_120 = tpu.memref_slice %arg9[%mul3A_115] : memref<6400000xf32, #tpu.memory_space<hbm>> -> memref<3200xf32, #tpu.memory_space<hbm>>
        tpu.enqueue_dma source(%arg38 : memref<3200xf32, #tpu.memory_space<vmem>>) target(%dma_start3A_120 : memref<3200xf32, #tpu.memory_space<hbm>>) target_semaphore(%arg46 : memref<!tpu.dma_semaphore, #tpu.memory_space<semaphore_mem>>)
        %dma_start3A_121 = tpu.memref_slice %arg10[%mul3A_115] : memref<6400000xf32, #tpu.memory_space<hbm>> -> memref<3200xf32, #tpu.memory_space<hbm>>
        %dma_start3A_122 = tpu.memref_slice %arg10[%mul3A_115] : memref<6400000xf32, #tpu.memory_space<hbm>> -> memref<3200xf32, #tpu.memory_space<hbm>>
        tpu.enqueue_dma source(%arg39 : memref<3200xf32, #tpu.memory_space<vmem>>) target(%dma_start3A_122 : memref<3200xf32, #tpu.memory_space<hbm>>) target_semaphore(%arg46 : memref<!tpu.dma_semaphore, #tpu.memory_space<semaphore_mem>>)
        %dma_start3A_123 = tpu.memref_slice %arg11[%mul3A_115] : memref<6400000xf32, #tpu.memory_space<hbm>> -> memref<3200xf32, #tpu.memory_space<hbm>>
        %dma_start3A_124 = tpu.memref_slice %arg11[%mul3A_115] : memref<6400000xf32, #tpu.memory_space<hbm>> -> memref<3200xf32, #tpu.memory_space<hbm>>
        tpu.enqueue_dma source(%arg40 : memref<3200xf32, #tpu.memory_space<vmem>>) target(%dma_start3A_124 : memref<3200xf32, #tpu.memory_space<hbm>>) target_semaphore(%arg46 : memref<!tpu.dma_semaphore, #tpu.memory_space<semaphore_mem>>)
      } else {
      }
    }
    %while3A_44 = arith.constant 1 : i32
    scf.for %while3A_54 = %while3A_42 to %while3A_38 step %while3A_44  : i32 {
      %mul3A_55 = arith.constant 2 : i32
      %mul3A_56 = arith.muli %mul3A_55, %while3A_54 : i32
      %add3A_57 = arith.constant 1 : i32
      %add3A_58 = arith.addi %mul3A_56, %add3A_57 : i32
      %lt3A_59 = arith.cmpi slt, %add3A_58, %add3A_6 : i32
      %convert_element_type3A_60 = arith.extui %lt3A_59 : i1 to i32
      %cond3A_61 = arith.constant 0 : i32
      %cond3A_62 = arith.cmpi ne, %convert_element_type3A_60, %cond3A_61 : i32
      scf.if %cond3A_62 {
        %dma_wait3A = arith.constant 0 : i32
        %dma_wait3A_101 = tpu.memref_slice %arg5[%dma_wait3A] : memref<6400000xi32, #tpu.memory_space<hbm>> -> memref<3200xi32, #tpu.memory_space<hbm>>
        %dma_wait3A_102 = arith.constant 0 : i32
        %dma_wait3A_103 = tpu.memref_slice %arg5[%dma_wait3A_102] : memref<6400000xi32, #tpu.memory_space<hbm>> -> memref<3200xi32, #tpu.memory_space<hbm>>
        tpu.wait_dma2 semaphore(%arg42 : memref<!tpu.dma_semaphore, #tpu.memory_space<semaphore_mem>>) src(%dma_wait3A_103 : memref<3200xi32, #tpu.memory_space<hbm>>) dst(%arg17 : memref<3200xi32, #tpu.memory_space<vmem>>)
        %dma_wait3A_104 = arith.constant 0 : i32
        %dma_wait3A_105 = tpu.memref_slice %arg6[%dma_wait3A_104] : memref<6400000xi32, #tpu.memory_space<hbm>> -> memref<3200xi32, #tpu.memory_space<hbm>>
        %dma_wait3A_106 = arith.constant 0 : i32
        %dma_wait3A_107 = tpu.memref_slice %arg6[%dma_wait3A_106] : memref<6400000xi32, #tpu.memory_space<hbm>> -> memref<3200xi32, #tpu.memory_space<hbm>>
        tpu.wait_dma2 semaphore(%arg42 : memref<!tpu.dma_semaphore, #tpu.memory_space<semaphore_mem>>) src(%dma_wait3A_107 : memref<3200xi32, #tpu.memory_space<hbm>>) dst(%arg18 : memref<3200xi32, #tpu.memory_space<vmem>>)
        %dma_start3A = arith.constant 0 : i32
        %dma_start3A_108 = tpu.memref_slice %arg12[%dma_start3A] : memref<100000xf32, #tpu.memory_space<vmem_shared>> -> memref<100000xf32, #tpu.memory_space<vmem_shared>>
        tpu.enqueue_indirect_dma source(%dma_start3A_108 : memref<100000xf32, #tpu.memory_space<vmem_shared>>) target(%arg25 : memref<3200xf32, #tpu.memory_space<vmem>>) offsets(%arg17 : memref<3200xi32, #tpu.memory_space<vmem>>) semaphore(%arg44 : memref<!tpu.dma_semaphore, #tpu.memory_space<semaphore_mem>>)
        %dma_start3A_109 = arith.constant 0 : i32
        %dma_start3A_110 = tpu.memref_slice %arg13[%dma_start3A_109] : memref<100000xf32, #tpu.memory_space<vmem_shared>> -> memref<100000xf32, #tpu.memory_space<vmem_shared>>
        tpu.enqueue_indirect_dma source(%dma_start3A_110 : memref<100000xf32, #tpu.memory_space<vmem_shared>>) target(%arg26 : memref<3200xf32, #tpu.memory_space<vmem>>) offsets(%arg17 : memref<3200xi32, #tpu.memory_space<vmem>>) semaphore(%arg44 : memref<!tpu.dma_semaphore, #tpu.memory_space<semaphore_mem>>)
        %dma_start3A_111 = arith.constant 0 : i32
        %dma_start3A_112 = tpu.memref_slice %arg14[%dma_start3A_111] : memref<100000xf32, #tpu.memory_space<vmem_shared>> -> memref<100000xf32, #tpu.memory_space<vmem_shared>>
        tpu.enqueue_indirect_dma source(%dma_start3A_112 : memref<100000xf32, #tpu.memory_space<vmem_shared>>) target(%arg27 : memref<3200xf32, #tpu.memory_space<vmem>>) offsets(%arg17 : memref<3200xi32, #tpu.memory_space<vmem>>) semaphore(%arg44 : memref<!tpu.dma_semaphore, #tpu.memory_space<semaphore_mem>>)
        %dma_start3A_113 = arith.constant 0 : i32
        %dma_start3A_114 = tpu.memref_slice %arg12[%dma_start3A_113] : memref<100000xf32, #tpu.memory_space<vmem_shared>> -> memref<100000xf32, #tpu.memory_space<vmem_shared>>
        tpu.enqueue_indirect_dma source(%dma_start3A_114 : memref<100000xf32, #tpu.memory_space<vmem_shared>>) target(%arg28 : memref<3200xf32, #tpu.memory_space<vmem>>) offsets(%arg18 : memref<3200xi32, #tpu.memory_space<vmem>>) semaphore(%arg44 : memref<!tpu.dma_semaphore, #tpu.memory_space<semaphore_mem>>)
        %dma_start3A_115 = arith.constant 0 : i32
        %dma_start3A_116 = tpu.memref_slice %arg13[%dma_start3A_115] : memref<100000xf32, #tpu.memory_space<vmem_shared>> -> memref<100000xf32, #tpu.memory_space<vmem_shared>>
        tpu.enqueue_indirect_dma source(%dma_start3A_116 : memref<100000xf32, #tpu.memory_space<vmem_shared>>) target(%arg29 : memref<3200xf32, #tpu.memory_space<vmem>>) offsets(%arg18 : memref<3200xi32, #tpu.memory_space<vmem>>) semaphore(%arg44 : memref<!tpu.dma_semaphore, #tpu.memory_space<semaphore_mem>>)
        %dma_start3A_117 = arith.constant 0 : i32
        %dma_start3A_118 = tpu.memref_slice %arg14[%dma_start3A_117] : memref<100000xf32, #tpu.memory_space<vmem_shared>> -> memref<100000xf32, #tpu.memory_space<vmem_shared>>
        tpu.enqueue_indirect_dma source(%dma_start3A_118 : memref<100000xf32, #tpu.memory_space<vmem_shared>>) target(%arg30 : memref<3200xf32, #tpu.memory_space<vmem>>) offsets(%arg18 : memref<3200xi32, #tpu.memory_space<vmem>>) semaphore(%arg44 : memref<!tpu.dma_semaphore, #tpu.memory_space<semaphore_mem>>)
      } else {
      }
      %lt3A_63 = arith.cmpi slt, %mul3A_56, %add3A_6 : i32
      %convert_element_type3A_64 = arith.extui %lt3A_63 : i1 to i32
      %cond3A_65 = arith.constant 0 : i32
      %cond3A_66 = arith.cmpi ne, %convert_element_type3A_64, %cond3A_65 : i32
      scf.if %cond3A_66 {
        %dma_wait3A = arith.constant 0 : i32
        %dma_wait3A_101 = tpu.memref_slice %arg12[%dma_wait3A] : memref<100000xf32, #tpu.memory_space<vmem_shared>> -> memref<100000xf32, #tpu.memory_space<vmem_shared>>
        tpu.wait_indirect_dma semaphore(%arg43 : memref<!tpu.dma_semaphore, #tpu.memory_space<semaphore_mem>>) src(%dma_wait3A_101 : memref<100000xf32, #tpu.memory_space<vmem_shared>>) dst(%arg19 : memref<3200xf32, #tpu.memory_space<vmem>>)
        %dma_wait3A_102 = arith.constant 0 : i32
        %dma_wait3A_103 = tpu.memref_slice %arg13[%dma_wait3A_102] : memref<100000xf32, #tpu.memory_space<vmem_shared>> -> memref<100000xf32, #tpu.memory_space<vmem_shared>>
        tpu.wait_indirect_dma semaphore(%arg43 : memref<!tpu.dma_semaphore, #tpu.memory_space<semaphore_mem>>) src(%dma_wait3A_103 : memref<100000xf32, #tpu.memory_space<vmem_shared>>) dst(%arg20 : memref<3200xf32, #tpu.memory_space<vmem>>)
        %dma_wait3A_104 = arith.constant 0 : i32
        %dma_wait3A_105 = tpu.memref_slice %arg14[%dma_wait3A_104] : memref<100000xf32, #tpu.memory_space<vmem_shared>> -> memref<100000xf32, #tpu.memory_space<vmem_shared>>
        tpu.wait_indirect_dma semaphore(%arg43 : memref<!tpu.dma_semaphore, #tpu.memory_space<semaphore_mem>>) src(%dma_wait3A_105 : memref<100000xf32, #tpu.memory_space<vmem_shared>>) dst(%arg21 : memref<3200xf32, #tpu.memory_space<vmem>>)
        %dma_wait3A_106 = arith.constant 0 : i32
        %dma_wait3A_107 = tpu.memref_slice %arg12[%dma_wait3A_106] : memref<100000xf32, #tpu.memory_space<vmem_shared>> -> memref<100000xf32, #tpu.memory_space<vmem_shared>>
        tpu.wait_indirect_dma semaphore(%arg43 : memref<!tpu.dma_semaphore, #tpu.memory_space<semaphore_mem>>) src(%dma_wait3A_107 : memref<100000xf32, #tpu.memory_space<vmem_shared>>) dst(%arg22 : memref<3200xf32, #tpu.memory_space<vmem>>)
        %dma_wait3A_108 = arith.constant 0 : i32
        %dma_wait3A_109 = tpu.memref_slice %arg13[%dma_wait3A_108] : memref<100000xf32, #tpu.memory_space<vmem_shared>> -> memref<100000xf32, #tpu.memory_space<vmem_shared>>
        tpu.wait_indirect_dma semaphore(%arg43 : memref<!tpu.dma_semaphore, #tpu.memory_space<semaphore_mem>>) src(%dma_wait3A_109 : memref<100000xf32, #tpu.memory_space<vmem_shared>>) dst(%arg23 : memref<3200xf32, #tpu.memory_space<vmem>>)
        %dma_wait3A_110 = arith.constant 0 : i32
        %dma_wait3A_111 = tpu.memref_slice %arg14[%dma_wait3A_110] : memref<100000xf32, #tpu.memory_space<vmem_shared>> -> memref<100000xf32, #tpu.memory_space<vmem_shared>>
        tpu.wait_indirect_dma semaphore(%arg43 : memref<!tpu.dma_semaphore, #tpu.memory_space<semaphore_mem>>) src(%dma_wait3A_111 : memref<100000xf32, #tpu.memory_space<vmem_shared>>) dst(%arg24 : memref<3200xf32, #tpu.memory_space<vmem>>)
      } else {
      }
      %add3A_67 = arith.constant 2 : i32
      %add3A_68 = arith.addi %mul3A_56, %add3A_67 : i32
      %lt3A_69 = arith.cmpi slt, %add3A_68, %add3A_6 : i32
      %convert_element_type3A_70 = arith.extui %lt3A_69 : i1 to i32
      %cond3A_71 = arith.constant 0 : i32
      %cond3A_72 = arith.cmpi ne, %convert_element_type3A_70, %cond3A_71 : i32
      scf.if %cond3A_72 {
        %add3A_101 = arith.constant 2 : i32
        %add3A_102 = arith.addi %mul3A_56, %add3A_101 : i32
        %mul3A_103 = arith.constant 32 : i32
        %mul3A_104 = arith.muli %add3A_102, %mul3A_103 : i32
        %add3A_105 = arith.addi %mul3A_104, %add3A : i32
        %mul3A_106 = arith.constant 3200 : i32
        %mul3A_107 = arith.muli %add3A_105, %mul3A_106 : i32
        %dma_start3A = tpu.memref_slice %arg5[%mul3A_107] : memref<6400000xi32, #tpu.memory_space<hbm>> -> memref<3200xi32, #tpu.memory_space<hbm>>
        %dma_start3A_108 = tpu.memref_slice %arg5[%mul3A_107] : memref<6400000xi32, #tpu.memory_space<hbm>> -> memref<3200xi32, #tpu.memory_space<hbm>>
        tpu.enqueue_dma source(%dma_start3A_108 : memref<3200xi32, #tpu.memory_space<hbm>>) target(%arg15 : memref<3200xi32, #tpu.memory_space<vmem>>) target_semaphore(%arg41 : memref<!tpu.dma_semaphore, #tpu.memory_space<semaphore_mem>>)
        %dma_start3A_109 = tpu.memref_slice %arg6[%mul3A_107] : memref<6400000xi32, #tpu.memory_space<hbm>> -> memref<3200xi32, #tpu.memory_space<hbm>>
        %dma_start3A_110 = tpu.memref_slice %arg6[%mul3A_107] : memref<6400000xi32, #tpu.memory_space<hbm>> -> memref<3200xi32, #tpu.memory_space<hbm>>
        tpu.enqueue_dma source(%dma_start3A_110 : memref<3200xi32, #tpu.memory_space<hbm>>) target(%arg16 : memref<3200xi32, #tpu.memory_space<vmem>>) target_semaphore(%arg41 : memref<!tpu.dma_semaphore, #tpu.memory_space<semaphore_mem>>)
      } else {
      }
      %lt3A_73 = arith.cmpi slt, %mul3A_56, %add3A_6 : i32
      %convert_element_type3A_74 = arith.extui %lt3A_73 : i1 to i32
      %cond3A_75 = arith.constant 0 : i32
      %cond3A_76 = arith.cmpi ne, %convert_element_type3A_74, %cond3A_75 : i32
      scf.if %cond3A_76 {
        %ge3A_101 = arith.constant 2 : i32
        %ge3A_102 = arith.cmpi sge, %mul3A_56, %ge3A_101 : i32
        %convert_element_type3A_103 = arith.extui %ge3A_102 : i1 to i32
        %cond3A_104 = arith.constant 0 : i32
        %cond3A_105 = arith.cmpi ne, %convert_element_type3A_103, %cond3A_104 : i32
        scf.if %cond3A_105 {
          %dma_wait3A = arith.constant 0 : i32
          %dma_wait3A_125 = tpu.memref_slice %arg7[%dma_wait3A] : memref<6400000xf32, #tpu.memory_space<hbm>> -> memref<3200xf32, #tpu.memory_space<hbm>>
          %dma_wait3A_126 = arith.constant 0 : i32
          %dma_wait3A_127 = tpu.memref_slice %arg7[%dma_wait3A_126] : memref<6400000xf32, #tpu.memory_space<hbm>> -> memref<3200xf32, #tpu.memory_space<hbm>>
          tpu.wait_dma2 semaphore(%arg45 : memref<!tpu.dma_semaphore, #tpu.memory_space<semaphore_mem>>) src(%arg31 : memref<3200xf32, #tpu.memory_space<vmem>>) dst(%dma_wait3A_127 : memref<3200xf32, #tpu.memory_space<hbm>>)
          %dma_wait3A_128 = arith.constant 0 : i32
          %dma_wait3A_129 = tpu.memref_slice %arg8[%dma_wait3A_128] : memref<6400000xf32, #tpu.memory_space<hbm>> -> memref<3200xf32, #tpu.memory_space<hbm>>
          %dma_wait3A_130 = arith.constant 0 : i32
          %dma_wait3A_131 = tpu.memref_slice %arg8[%dma_wait3A_130] : memref<6400000xf32, #tpu.memory_space<hbm>> -> memref<3200xf32, #tpu.memory_space<hbm>>
          tpu.wait_dma2 semaphore(%arg45 : memref<!tpu.dma_semaphore, #tpu.memory_space<semaphore_mem>>) src(%arg32 : memref<3200xf32, #tpu.memory_space<vmem>>) dst(%dma_wait3A_131 : memref<3200xf32, #tpu.memory_space<hbm>>)
          %dma_wait3A_132 = arith.constant 0 : i32
          %dma_wait3A_133 = tpu.memref_slice %arg9[%dma_wait3A_132] : memref<6400000xf32, #tpu.memory_space<hbm>> -> memref<3200xf32, #tpu.memory_space<hbm>>
          %dma_wait3A_134 = arith.constant 0 : i32
          %dma_wait3A_135 = tpu.memref_slice %arg9[%dma_wait3A_134] : memref<6400000xf32, #tpu.memory_space<hbm>> -> memref<3200xf32, #tpu.memory_space<hbm>>
          tpu.wait_dma2 semaphore(%arg45 : memref<!tpu.dma_semaphore, #tpu.memory_space<semaphore_mem>>) src(%arg33 : memref<3200xf32, #tpu.memory_space<vmem>>) dst(%dma_wait3A_135 : memref<3200xf32, #tpu.memory_space<hbm>>)
          %dma_wait3A_136 = arith.constant 0 : i32
          %dma_wait3A_137 = tpu.memref_slice %arg10[%dma_wait3A_136] : memref<6400000xf32, #tpu.memory_space<hbm>> -> memref<3200xf32, #tpu.memory_space<hbm>>
          %dma_wait3A_138 = arith.constant 0 : i32
          %dma_wait3A_139 = tpu.memref_slice %arg10[%dma_wait3A_138] : memref<6400000xf32, #tpu.memory_space<hbm>> -> memref<3200xf32, #tpu.memory_space<hbm>>
          tpu.wait_dma2 semaphore(%arg45 : memref<!tpu.dma_semaphore, #tpu.memory_space<semaphore_mem>>) src(%arg34 : memref<3200xf32, #tpu.memory_space<vmem>>) dst(%dma_wait3A_139 : memref<3200xf32, #tpu.memory_space<hbm>>)
          %dma_wait3A_140 = arith.constant 0 : i32
          %dma_wait3A_141 = tpu.memref_slice %arg11[%dma_wait3A_140] : memref<6400000xf32, #tpu.memory_space<hbm>> -> memref<3200xf32, #tpu.memory_space<hbm>>
          %dma_wait3A_142 = arith.constant 0 : i32
          %dma_wait3A_143 = tpu.memref_slice %arg11[%dma_wait3A_142] : memref<6400000xf32, #tpu.memory_space<hbm>> -> memref<3200xf32, #tpu.memory_space<hbm>>
          tpu.wait_dma2 semaphore(%arg45 : memref<!tpu.dma_semaphore, #tpu.memory_space<semaphore_mem>>) src(%arg35 : memref<3200xf32, #tpu.memory_space<vmem>>) dst(%dma_wait3A_143 : memref<3200xf32, #tpu.memory_space<hbm>>)
        } else {
        }
        %scan3A = arith.constant 0 : i32
        %scan3A_106 = arith.constant 0 : i32
        %scan3A_107 = arith.constant 200 : i32
        %scan3A_108 = arith.addi %scan3A_106, %scan3A_107 : i32
        %scan3A_109 = arith.constant 1 : i32
        scf.for %scan3A_125 = %scan3A_106 to %scan3A_108 step %scan3A_109  : i32 {
          %mul3A_126 = arith.constant 16 : i32
          %mul3A_127 = arith.muli %scan3A_125, %mul3A_126 : i32
          %get3A = arith.index_cast %mul3A_127 : i32 to index
          %get3A_128 = tpu.vector_load %arg22[%get3A] {strides = array<i32>} : memref<3200xf32, #tpu.memory_space<vmem>>, vector<16xf32>,
          %get3A_129 = arith.index_cast %mul3A_127 : i32 to index
          %get3A_130 = tpu.vector_load %arg19[%get3A_129] {strides = array<i32>} : memref<3200xf32, #tpu.memory_space<vmem>>, vector<16xf32>,
          %sub3A_131 = arith.subf %get3A_128, %get3A_130 : vector<16xf32>
          %get3A_132 = arith.index_cast %mul3A_127 : i32 to index
          %get3A_133 = tpu.vector_load %arg23[%get3A_132] {strides = array<i32>} : memref<3200xf32, #tpu.memory_space<vmem>>, vector<16xf32>,
          %get3A_134 = arith.index_cast %mul3A_127 : i32 to index
          %get3A_135 = tpu.vector_load %arg20[%get3A_134] {strides = array<i32>} : memref<3200xf32, #tpu.memory_space<vmem>>, vector<16xf32>,
          %sub3A_136 = arith.subf %get3A_133, %get3A_135 : vector<16xf32>
          %get3A_137 = arith.index_cast %mul3A_127 : i32 to index
          %get3A_138 = tpu.vector_load %arg24[%get3A_137] {strides = array<i32>} : memref<3200xf32, #tpu.memory_space<vmem>>, vector<16xf32>,
          %get3A_139 = arith.index_cast %mul3A_127 : i32 to index
          %get3A_140 = tpu.vector_load %arg21[%get3A_139] {strides = array<i32>} : memref<3200xf32, #tpu.memory_space<vmem>>, vector<16xf32>,
          %sub3A_141 = arith.subf %get3A_138, %get3A_140 : vector<16xf32>
          %mul3A_142 = arith.mulf %sub3A_131, %sub3A_131 : vector<16xf32>
          %mul3A_143 = arith.mulf %sub3A_136, %sub3A_136 : vector<16xf32>
          %add3A_144 = arith.addf %mul3A_142, %mul3A_143 : vector<16xf32>
          %mul3A_145 = arith.mulf %sub3A_141, %sub3A_141 : vector<16xf32>
          %add3A_146 = arith.addf %add3A_144, %mul3A_145 : vector<16xf32>
          %max3A = arith.constant 1.000000e-30 : f32
          %max3A_147 = vector.broadcast %max3A : f32 to vector<16xf32>
          %max3A_148 = arith.maximumf %add3A_146, %max3A_147 : vector<16xf32>
          %bitcast3A = vector.bitcast %max3A_148 : vector<16xf32> to vector<16xi32>
          %shift_right_arithmetic3A = arith.constant 1 : i32
          %shift_right_arithmetic3A_149 = vector.broadcast %shift_right_arithmetic3A : i32 to vector<16xi32>
          %shift_right_arithmetic3A_150 = arith.shrsi %bitcast3A, %shift_right_arithmetic3A_149 : vector<16xi32>
          %sub3A_151 = arith.constant 1597463007 : i32
          %sub3A_152 = vector.broadcast %sub3A_151 : i32 to vector<16xi32>
          %sub3A_153 = arith.subi %sub3A_152, %shift_right_arithmetic3A_150 : vector<16xi32>
          %bitcast3A_154 = vector.bitcast %sub3A_153 : vector<16xi32> to vector<16xf32>
          %mul3A_155 = arith.constant 5.000000e-01 : f32
          %mul3A_156 = vector.broadcast %mul3A_155 : f32 to vector<16xf32>
          %mul3A_157 = arith.mulf %mul3A_156, %max3A_148 : vector<16xf32>
          %mul3A_158 = arith.mulf %mul3A_157, %bitcast3A_154 : vector<16xf32>
          %mul3A_159 = arith.mulf %mul3A_158, %bitcast3A_154 : vector<16xf32>
          %sub3A_160 = arith.constant 1.500000e+00 : f32
          %sub3A_161 = vector.broadcast %sub3A_160 : f32 to vector<16xf32>
          %sub3A_162 = arith.subf %sub3A_161, %mul3A_159 : vector<16xf32>
          %mul3A_163 = arith.mulf %bitcast3A_154, %sub3A_162 : vector<16xf32>
          %mul3A_164 = arith.constant 5.000000e-01 : f32
          %mul3A_165 = vector.broadcast %mul3A_164 : f32 to vector<16xf32>
          %mul3A_166 = arith.mulf %mul3A_165, %max3A_148 : vector<16xf32>
          %mul3A_167 = arith.mulf %mul3A_166, %mul3A_163 : vector<16xf32>
          %mul3A_168 = arith.mulf %mul3A_167, %mul3A_163 : vector<16xf32>
          %sub3A_169 = arith.constant 1.500000e+00 : f32
          %sub3A_170 = vector.broadcast %sub3A_169 : f32 to vector<16xf32>
          %sub3A_171 = arith.subf %sub3A_170, %mul3A_168 : vector<16xf32>
          %mul3A_172 = arith.mulf %mul3A_163, %sub3A_171 : vector<16xf32>
          %mul3A_173 = arith.constant 5.000000e-01 : f32
          %mul3A_174 = vector.broadcast %mul3A_173 : f32 to vector<16xf32>
          %mul3A_175 = arith.mulf %mul3A_174, %max3A_148 : vector<16xf32>
          %mul3A_176 = arith.mulf %mul3A_175, %mul3A_172 : vector<16xf32>
          %mul3A_177 = arith.mulf %mul3A_176, %mul3A_172 : vector<16xf32>
          %sub3A_178 = arith.constant 1.500000e+00 : f32
          %sub3A_179 = vector.broadcast %sub3A_178 : f32 to vector<16xf32>
          %sub3A_180 = arith.subf %sub3A_179, %mul3A_177 : vector<16xf32>
          %mul3A_181 = arith.mulf %mul3A_172, %sub3A_180 : vector<16xf32>
          %mul3A_182 = arith.mulf %add3A_146, %mul3A_181 : vector<16xf32>
          %lt3A_183 = arith.constant 5.000000e-01 : f32
          %lt3A_184 = vector.broadcast %lt3A_183 : f32 to vector<16xf32>
          %lt3A_185 = arith.cmpf olt, %mul3A_182, %lt3A_184 : vector<16xf32>
          %mul3A_186 = arith.constant 2.000000e+00 : f32
          %mul3A_187 = vector.broadcast %mul3A_186 : f32 to vector<16xf32>
          %mul3A_188 = arith.mulf %mul3A_182, %mul3A_187 : vector<16xf32>
          %min3A = arith.constant 1.000000e+00 : f32
          %min3A_189 = vector.broadcast %min3A : f32 to vector<16xf32>
          %min3A_190 = arith.minimumf %mul3A_188, %min3A_189 : vector<16xf32>
          %sub3A_191 = arith.constant 5.000000e-01 : f32
          %sub3A_192 = vector.broadcast %sub3A_191 : f32 to vector<16xf32>
          %sub3A_193 = arith.subf %min3A_190, %sub3A_192 : vector<16xf32>
          %mul3A_194 = arith.constant 3.14159274 : f32
          %mul3A_195 = vector.broadcast %mul3A_194 : f32 to vector<16xf32>
          %mul3A_196 = arith.mulf %sub3A_193, %mul3A_195 : vector<16xf32>
          %mul3A_197 = arith.mulf %mul3A_196, %mul3A_196 : vector<16xf32>
          %mul3A_198 = arith.constant 2.75573188E-6 : f32
          %mul3A_199 = vector.broadcast %mul3A_198 : f32 to vector<16xf32>
          %mul3A_200 = arith.mulf %mul3A_199, %mul3A_197 : vector<16xf32>
          %sub3A_201 = arith.constant 1.98412701E-4 : f32
          %sub3A_202 = vector.broadcast %sub3A_201 : f32 to vector<16xf32>
          %sub3A_203 = arith.subf %mul3A_200, %sub3A_202 : vector<16xf32>
          %mul3A_204 = arith.mulf %sub3A_203, %mul3A_197 : vector<16xf32>
          %add3A_205 = arith.constant 0.00833333377 : f32
          %add3A_206 = vector.broadcast %add3A_205 : f32 to vector<16xf32>
          %add3A_207 = arith.addf %mul3A_204, %add3A_206 : vector<16xf32>
          %mul3A_208 = arith.mulf %add3A_207, %mul3A_197 : vector<16xf32>
          %sub3A_209 = arith.constant 0.166666672 : f32
          %sub3A_210 = vector.broadcast %sub3A_209 : f32 to vector<16xf32>
          %sub3A_211 = arith.subf %mul3A_208, %sub3A_210 : vector<16xf32>
          %mul3A_212 = arith.mulf %sub3A_211, %mul3A_197 : vector<16xf32>
          %add3A_213 = arith.constant 1.000000e+00 : f32
          %add3A_214 = vector.broadcast %add3A_213 : f32 to vector<16xf32>
          %add3A_215 = arith.addf %mul3A_212, %add3A_214 : vector<16xf32>
          %mul3A_216 = arith.mulf %mul3A_196, %add3A_215 : vector<16xf32>
          %mul3A_217 = arith.constant 5.000000e-01 : f32
          %mul3A_218 = vector.broadcast %mul3A_217 : f32 to vector<16xf32>
          %mul3A_219 = arith.mulf %mul3A_218, %mul3A_216 : vector<16xf32>
          %sub3A_220 = arith.constant 5.000000e-01 : f32
          %sub3A_221 = vector.broadcast %sub3A_220 : f32 to vector<16xf32>
          %sub3A_222 = arith.subf %sub3A_221, %mul3A_219 : vector<16xf32>
          %jit3A_223 = arith.constant 0.000000e+00 : f32
          %broadcast_in_dim3A = vector.broadcast %jit3A_223 : f32 to vector<16xf32>
          %select_n3A_224 = arith.select %lt3A_185, %sub3A_222, %broadcast_in_dim3A : vector<16xi1>, vector<16xf32>
          %swap3A = arith.index_cast %mul3A_127 : i32 to index
          %swap3A_225 = tpu.vector_load %arg31[%swap3A] {strides = array<i32>} : memref<3200xf32, #tpu.memory_space<vmem>>, vector<16xf32>,
          tpu.vector_store %arg31[%swap3A], %sub3A_131 {strides = array<i32>} : memref<3200xf32, #tpu.memory_space<vmem>>, vector<16xf32>,
          %swap3A_226 = arith.index_cast %mul3A_127 : i32 to index
          %swap3A_227 = tpu.vector_load %arg32[%swap3A_226] {strides = array<i32>} : memref<3200xf32, #tpu.memory_space<vmem>>, vector<16xf32>,
          tpu.vector_store %arg32[%swap3A_226], %sub3A_136 {strides = array<i32>} : memref<3200xf32, #tpu.memory_space<vmem>>, vector<16xf32>,
          %swap3A_228 = arith.index_cast %mul3A_127 : i32 to index
          %swap3A_229 = tpu.vector_load %arg33[%swap3A_228] {strides = array<i32>} : memref<3200xf32, #tpu.memory_space<vmem>>, vector<16xf32>,
          tpu.vector_store %arg33[%swap3A_228], %sub3A_141 {strides = array<i32>} : memref<3200xf32, #tpu.memory_space<vmem>>, vector<16xf32>,
          %swap3A_230 = arith.index_cast %mul3A_127 : i32 to index
          %swap3A_231 = tpu.vector_load %arg34[%swap3A_230] {strides = array<i32>} : memref<3200xf32, #tpu.memory_space<vmem>>, vector<16xf32>,
          tpu.vector_store %arg34[%swap3A_230], %mul3A_182 {strides = array<i32>} : memref<3200xf32, #tpu.memory_space<vmem>>, vector<16xf32>,
          %swap3A_232 = arith.index_cast %mul3A_127 : i32 to index
          %swap3A_233 = tpu.vector_load %arg35[%swap3A_232] {strides = array<i32>} : memref<3200xf32, #tpu.memory_space<vmem>>, vector<16xf32>,
          tpu.vector_store %arg35[%swap3A_232], %select_n3A_224 {strides = array<i32>} : memref<3200xf32, #tpu.memory_space<vmem>>, vector<16xf32>,
        }
        %scan3A_110 = arith.constant 200 : i32
        %mul3A_111 = arith.constant 32 : i32
        %mul3A_112 = arith.muli %mul3A_56, %mul3A_111 : i32
        %add3A_113 = arith.addi %mul3A_112, %add3A : i32
        %mul3A_114 = arith.constant 3200 : i32
        %mul3A_115 = arith.muli %add3A_113, %mul3A_114 : i32
        %dma_start3A = tpu.memref_slice %arg7[%mul3A_115] : memref<6400000xf32, #tpu.memory_space<hbm>> -> memref<3200xf32, #tpu.memory_space<hbm>>
        %dma_start3A_116 = tpu.memref_slice %arg7[%mul3A_115] : memref<6400000xf32, #tpu.memory_space<hbm>> -> memref<3200xf32, #tpu.memory_space<hbm>>
        tpu.enqueue_dma source(%arg31 : memref<3200xf32, #tpu.memory_space<vmem>>) target(%dma_start3A_116 : memref<3200xf32, #tpu.memory_space<hbm>>) target_semaphore(%arg45 : memref<!tpu.dma_semaphore, #tpu.memory_space<semaphore_mem>>)
        %dma_start3A_117 = tpu.memref_slice %arg8[%mul3A_115] : memref<6400000xf32, #tpu.memory_space<hbm>> -> memref<3200xf32, #tpu.memory_space<hbm>>
        %dma_start3A_118 = tpu.memref_slice %arg8[%mul3A_115] : memref<6400000xf32, #tpu.memory_space<hbm>> -> memref<3200xf32, #tpu.memory_space<hbm>>
        tpu.enqueue_dma source(%arg32 : memref<3200xf32, #tpu.memory_space<vmem>>) target(%dma_start3A_118 : memref<3200xf32, #tpu.memory_space<hbm>>) target_semaphore(%arg45 : memref<!tpu.dma_semaphore, #tpu.memory_space<semaphore_mem>>)
        %dma_start3A_119 = tpu.memref_slice %arg9[%mul3A_115] : memref<6400000xf32, #tpu.memory_space<hbm>> -> memref<3200xf32, #tpu.memory_space<hbm>>
        %dma_start3A_120 = tpu.memref_slice %arg9[%mul3A_115] : memref<6400000xf32, #tpu.memory_space<hbm>> -> memref<3200xf32, #tpu.memory_space<hbm>>
        tpu.enqueue_dma source(%arg33 : memref<3200xf32, #tpu.memory_space<vmem>>) target(%dma_start3A_120 : memref<3200xf32, #tpu.memory_space<hbm>>) target_semaphore(%arg45 : memref<!tpu.dma_semaphore, #tpu.memory_space<semaphore_mem>>)
        %dma_start3A_121 = tpu.memref_slice %arg10[%mul3A_115] : memref<6400000xf32, #tpu.memory_space<hbm>> -> memref<3200xf32, #tpu.memory_space<hbm>>
        %dma_start3A_122 = tpu.memref_slice %arg10[%mul3A_115] : memref<6400000xf32, #tpu.memory_space<hbm>> -> memref<3200xf32, #tpu.memory_space<hbm>>
        tpu.enqueue_dma source(%arg34 : memref<3200xf32, #tpu.memory_space<vmem>>) target(%dma_start3A_122 : memref<3200xf32, #tpu.memory_space<hbm>>) target_semaphore(%arg45 : memref<!tpu.dma_semaphore, #tpu.memory_space<semaphore_mem>>)
        %dma_start3A_123 = tpu.memref_slice %arg11[%mul3A_115] : memref<6400000xf32, #tpu.memory_space<hbm>> -> memref<3200xf32, #tpu.memory_space<hbm>>
        %dma_start3A_124 = tpu.memref_slice %arg11[%mul3A_115] : memref<6400000xf32, #tpu.memory_space<hbm>> -> memref<3200xf32, #tpu.memory_space<hbm>>
        tpu.enqueue_dma source(%arg35 : memref<3200xf32, #tpu.memory_space<vmem>>) target(%dma_start3A_124 : memref<3200xf32, #tpu.memory_space<hbm>>) target_semaphore(%arg45 : memref<!tpu.dma_semaphore, #tpu.memory_space<semaphore_mem>>)
      } else {
      }
      %mul3A_77 = arith.constant 2 : i32
      %mul3A_78 = arith.muli %mul3A_77, %while3A_54 : i32
      %add3A_79 = arith.constant 1 : i32
      %add3A_80 = arith.addi %mul3A_78, %add3A_79 : i32
      %add3A_81 = arith.constant 1 : i32
      %add3A_82 = arith.addi %add3A_80, %add3A_81 : i32
      %lt3A_83 = arith.cmpi slt, %add3A_82, %add3A_6 : i32
      %convert_element_type3A_84 = arith.extui %lt3A_83 : i1 to i32
      %cond3A_85 = arith.constant 0 : i32
      %cond3A_86 = arith.cmpi ne, %convert_element_type3A_84, %cond3A_85 : i32
      scf.if %cond3A_86 {
        %dma_wait3A = arith.constant 0 : i32
        %dma_wait3A_101 = tpu.memref_slice %arg5[%dma_wait3A] : memref<6400000xi32, #tpu.memory_space<hbm>> -> memref<3200xi32, #tpu.memory_space<hbm>>
        %dma_wait3A_102 = arith.constant 0 : i32
        %dma_wait3A_103 = tpu.memref_slice %arg5[%dma_wait3A_102] : memref<6400000xi32, #tpu.memory_space<hbm>> -> memref<3200xi32, #tpu.memory_space<hbm>>
        tpu.wait_dma2 semaphore(%arg41 : memref<!tpu.dma_semaphore, #tpu.memory_space<semaphore_mem>>) src(%dma_wait3A_103 : memref<3200xi32, #tpu.memory_space<hbm>>) dst(%arg15 : memref<3200xi32, #tpu.memory_space<vmem>>)
        %dma_wait3A_104 = arith.constant 0 : i32
        %dma_wait3A_105 = tpu.memref_slice %arg6[%dma_wait3A_104] : memref<6400000xi32, #tpu.memory_space<hbm>> -> memref<3200xi32, #tpu.memory_space<hbm>>
        %dma_wait3A_106 = arith.constant 0 : i32
        %dma_wait3A_107 = tpu.memref_slice %arg6[%dma_wait3A_106] : memref<6400000xi32, #tpu.memory_space<hbm>> -> memref<3200xi32, #tpu.memory_space<hbm>>
        tpu.wait_dma2 semaphore(%arg41 : memref<!tpu.dma_semaphore, #tpu.memory_space<semaphore_mem>>) src(%dma_wait3A_107 : memref<3200xi32, #tpu.memory_space<hbm>>) dst(%arg16 : memref<3200xi32, #tpu.memory_space<vmem>>)
        %dma_start3A = arith.constant 0 : i32
        %dma_start3A_108 = tpu.memref_slice %arg12[%dma_start3A] : memref<100000xf32, #tpu.memory_space<vmem_shared>> -> memref<100000xf32, #tpu.memory_space<vmem_shared>>
        tpu.enqueue_indirect_dma source(%dma_start3A_108 : memref<100000xf32, #tpu.memory_space<vmem_shared>>) target(%arg19 : memref<3200xf32, #tpu.memory_space<vmem>>) offsets(%arg15 : memref<3200xi32, #tpu.memory_space<vmem>>) semaphore(%arg43 : memref<!tpu.dma_semaphore, #tpu.memory_space<semaphore_mem>>)
        %dma_start3A_109 = arith.constant 0 : i32
        %dma_start3A_110 = tpu.memref_slice %arg13[%dma_start3A_109] : memref<100000xf32, #tpu.memory_space<vmem_shared>> -> memref<100000xf32, #tpu.memory_space<vmem_shared>>
        tpu.enqueue_indirect_dma source(%dma_start3A_110 : memref<100000xf32, #tpu.memory_space<vmem_shared>>) target(%arg20 : memref<3200xf32, #tpu.memory_space<vmem>>) offsets(%arg15 : memref<3200xi32, #tpu.memory_space<vmem>>) semaphore(%arg43 : memref<!tpu.dma_semaphore, #tpu.memory_space<semaphore_mem>>)
        %dma_start3A_111 = arith.constant 0 : i32
        %dma_start3A_112 = tpu.memref_slice %arg14[%dma_start3A_111] : memref<100000xf32, #tpu.memory_space<vmem_shared>> -> memref<100000xf32, #tpu.memory_space<vmem_shared>>
        tpu.enqueue_indirect_dma source(%dma_start3A_112 : memref<100000xf32, #tpu.memory_space<vmem_shared>>) target(%arg21 : memref<3200xf32, #tpu.memory_space<vmem>>) offsets(%arg15 : memref<3200xi32, #tpu.memory_space<vmem>>) semaphore(%arg43 : memref<!tpu.dma_semaphore, #tpu.memory_space<semaphore_mem>>)
        %dma_start3A_113 = arith.constant 0 : i32
        %dma_start3A_114 = tpu.memref_slice %arg12[%dma_start3A_113] : memref<100000xf32, #tpu.memory_space<vmem_shared>> -> memref<100000xf32, #tpu.memory_space<vmem_shared>>
        tpu.enqueue_indirect_dma source(%dma_start3A_114 : memref<100000xf32, #tpu.memory_space<vmem_shared>>) target(%arg22 : memref<3200xf32, #tpu.memory_space<vmem>>) offsets(%arg16 : memref<3200xi32, #tpu.memory_space<vmem>>) semaphore(%arg43 : memref<!tpu.dma_semaphore, #tpu.memory_space<semaphore_mem>>)
        %dma_start3A_115 = arith.constant 0 : i32
        %dma_start3A_116 = tpu.memref_slice %arg13[%dma_start3A_115] : memref<100000xf32, #tpu.memory_space<vmem_shared>> -> memref<100000xf32, #tpu.memory_space<vmem_shared>>
        tpu.enqueue_indirect_dma source(%dma_start3A_116 : memref<100000xf32, #tpu.memory_space<vmem_shared>>) target(%arg23 : memref<3200xf32, #tpu.memory_space<vmem>>) offsets(%arg16 : memref<3200xi32, #tpu.memory_space<vmem>>) semaphore(%arg43 : memref<!tpu.dma_semaphore, #tpu.memory_space<semaphore_mem>>)
        %dma_start3A_117 = arith.constant 0 : i32
        %dma_start3A_118 = tpu.memref_slice %arg14[%dma_start3A_117] : memref<100000xf32, #tpu.memory_space<vmem_shared>> -> memref<100000xf32, #tpu.memory_space<vmem_shared>>
        tpu.enqueue_indirect_dma source(%dma_start3A_118 : memref<100000xf32, #tpu.memory_space<vmem_shared>>) target(%arg24 : memref<3200xf32, #tpu.memory_space<vmem>>) offsets(%arg16 : memref<3200xi32, #tpu.memory_space<vmem>>) semaphore(%arg43 : memref<!tpu.dma_semaphore, #tpu.memory_space<semaphore_mem>>)
      } else {
      }
      %lt3A_87 = arith.cmpi slt, %add3A_80, %add3A_6 : i32
      %convert_element_type3A_88 = arith.extui %lt3A_87 : i1 to i32
      %cond3A_89 = arith.constant 0 : i32
      %cond3A_90 = arith.cmpi ne, %convert_element_type3A_88, %cond3A_89 : i32
      scf.if %cond3A_90 {
        %dma_wait3A = arith.constant 0 : i32
        %dma_wait3A_101 = tpu.memref_slice %arg12[%dma_wait3A] : memref<100000xf32, #tpu.memory_space<vmem_shared>> -> memref<100000xf32, #tpu.memory_space<vmem_shared>>
        tpu.wait_indirect_dma semaphore(%arg44 : memref<!tpu.dma_semaphore, #tpu.memory_space<semaphore_mem>>) src(%dma_wait3A_101 : memref<100000xf32, #tpu.memory_space<vmem_shared>>) dst(%arg25 : memref<3200xf32, #tpu.memory_space<vmem>>)
        %dma_wait3A_102 = arith.constant 0 : i32
        %dma_wait3A_103 = tpu.memref_slice %arg13[%dma_wait3A_102] : memref<100000xf32, #tpu.memory_space<vmem_shared>> -> memref<100000xf32, #tpu.memory_space<vmem_shared>>
        tpu.wait_indirect_dma semaphore(%arg44 : memref<!tpu.dma_semaphore, #tpu.memory_space<semaphore_mem>>) src(%dma_wait3A_103 : memref<100000xf32, #tpu.memory_space<vmem_shared>>) dst(%arg26 : memref<3200xf32, #tpu.memory_space<vmem>>)
        %dma_wait3A_104 = arith.constant 0 : i32
        %dma_wait3A_105 = tpu.memref_slice %arg14[%dma_wait3A_104] : memref<100000xf32, #tpu.memory_space<vmem_shared>> -> memref<100000xf32, #tpu.memory_space<vmem_shared>>
        tpu.wait_indirect_dma semaphore(%arg44 : memref<!tpu.dma_semaphore, #tpu.memory_space<semaphore_mem>>) src(%dma_wait3A_105 : memref<100000xf32, #tpu.memory_space<vmem_shared>>) dst(%arg27 : memref<3200xf32, #tpu.memory_space<vmem>>)
        %dma_wait3A_106 = arith.constant 0 : i32
        %dma_wait3A_107 = tpu.memref_slice %arg12[%dma_wait3A_106] : memref<100000xf32, #tpu.memory_space<vmem_shared>> -> memref<100000xf32, #tpu.memory_space<vmem_shared>>
        tpu.wait_indirect_dma semaphore(%arg44 : memref<!tpu.dma_semaphore, #tpu.memory_space<semaphore_mem>>) src(%dma_wait3A_107 : memref<100000xf32, #tpu.memory_space<vmem_shared>>) dst(%arg28 : memref<3200xf32, #tpu.memory_space<vmem>>)
        %dma_wait3A_108 = arith.constant 0 : i32
        %dma_wait3A_109 = tpu.memref_slice %arg13[%dma_wait3A_108] : memref<100000xf32, #tpu.memory_space<vmem_shared>> -> memref<100000xf32, #tpu.memory_space<vmem_shared>>
        tpu.wait_indirect_dma semaphore(%arg44 : memref<!tpu.dma_semaphore, #tpu.memory_space<semaphore_mem>>) src(%dma_wait3A_109 : memref<100000xf32, #tpu.memory_space<vmem_shared>>) dst(%arg29 : memref<3200xf32, #tpu.memory_space<vmem>>)
        %dma_wait3A_110 = arith.constant 0 : i32
        %dma_wait3A_111 = tpu.memref_slice %arg14[%dma_wait3A_110] : memref<100000xf32, #tpu.memory_space<vmem_shared>> -> memref<100000xf32, #tpu.memory_space<vmem_shared>>
        tpu.wait_indirect_dma semaphore(%arg44 : memref<!tpu.dma_semaphore, #tpu.memory_space<semaphore_mem>>) src(%dma_wait3A_111 : memref<100000xf32, #tpu.memory_space<vmem_shared>>) dst(%arg30 : memref<3200xf32, #tpu.memory_space<vmem>>)
      } else {
      }
      %add3A_91 = arith.constant 2 : i32
      %add3A_92 = arith.addi %add3A_80, %add3A_91 : i32
      %lt3A_93 = arith.cmpi slt, %add3A_92, %add3A_6 : i32
      %convert_element_type3A_94 = arith.extui %lt3A_93 : i1 to i32
      %cond3A_95 = arith.constant 0 : i32
      %cond3A_96 = arith.cmpi ne, %convert_element_type3A_94, %cond3A_95 : i32
      scf.if %cond3A_96 {
        %add3A_101 = arith.constant 2 : i32
        %add3A_102 = arith.addi %add3A_80, %add3A_101 : i32
        %mul3A_103 = arith.constant 32 : i32
        %mul3A_104 = arith.muli %add3A_102, %mul3A_103 : i32
        %add3A_105 = arith.addi %mul3A_104, %add3A : i32
        %mul3A_106 = arith.constant 3200 : i32
        %mul3A_107 = arith.muli %add3A_105, %mul3A_106 : i32
        %dma_start3A = tpu.memref_slice %arg5[%mul3A_107] : memref<6400000xi32, #tpu.memory_space<hbm>> -> memref<3200xi32, #tpu.memory_space<hbm>>
        %dma_start3A_108 = tpu.memref_slice %arg5[%mul3A_107] : memref<6400000xi32, #tpu.memory_space<hbm>> -> memref<3200xi32, #tpu.memory_space<hbm>>
        tpu.enqueue_dma source(%dma_start3A_108 : memref<3200xi32, #tpu.memory_space<hbm>>) target(%arg17 : memref<3200xi32, #tpu.memory_space<vmem>>) target_semaphore(%arg42 : memref<!tpu.dma_semaphore, #tpu.memory_space<semaphore_mem>>)
        %dma_start3A_109 = tpu.memref_slice %arg6[%mul3A_107] : memref<6400000xi32, #tpu.memory_space<hbm>> -> memref<3200xi32, #tpu.memory_space<hbm>>
        %dma_start3A_110 = tpu.memref_slice %arg6[%mul3A_107] : memref<6400000xi32, #tpu.memory_space<hbm>> -> memref<3200xi32, #tpu.memory_space<hbm>>
        tpu.enqueue_dma source(%dma_start3A_110 : memref<3200xi32, #tpu.memory_space<hbm>>) target(%arg18 : memref<3200xi32, #tpu.memory_space<vmem>>) target_semaphore(%arg42 : memref<!tpu.dma_semaphore, #tpu.memory_space<semaphore_mem>>)
      } else {
      }
      %lt3A_97 = arith.cmpi slt, %add3A_80, %add3A_6 : i32
      %convert_element_type3A_98 = arith.extui %lt3A_97 : i1 to i32
      %cond3A_99 = arith.constant 0 : i32
      %cond3A_100 = arith.cmpi ne, %convert_element_type3A_98, %cond3A_99 : i32
      scf.if %cond3A_100 {
        %ge3A_101 = arith.constant 2 : i32
        %ge3A_102 = arith.cmpi sge, %add3A_80, %ge3A_101 : i32
        %convert_element_type3A_103 = arith.extui %ge3A_102 : i1 to i32
        %cond3A_104 = arith.constant 0 : i32
        %cond3A_105 = arith.cmpi ne, %convert_element_type3A_103, %cond3A_104 : i32
        scf.if %cond3A_105 {
          %dma_wait3A = arith.constant 0 : i32
          %dma_wait3A_125 = tpu.memref_slice %arg7[%dma_wait3A] : memref<6400000xf32, #tpu.memory_space<hbm>> -> memref<3200xf32, #tpu.memory_space<hbm>>
          %dma_wait3A_126 = arith.constant 0 : i32
          %dma_wait3A_127 = tpu.memref_slice %arg7[%dma_wait3A_126] : memref<6400000xf32, #tpu.memory_space<hbm>> -> memref<3200xf32, #tpu.memory_space<hbm>>
          tpu.wait_dma2 semaphore(%arg46 : memref<!tpu.dma_semaphore, #tpu.memory_space<semaphore_mem>>) src(%arg36 : memref<3200xf32, #tpu.memory_space<vmem>>) dst(%dma_wait3A_127 : memref<3200xf32, #tpu.memory_space<hbm>>)
          %dma_wait3A_128 = arith.constant 0 : i32
          %dma_wait3A_129 = tpu.memref_slice %arg8[%dma_wait3A_128] : memref<6400000xf32, #tpu.memory_space<hbm>> -> memref<3200xf32, #tpu.memory_space<hbm>>
          %dma_wait3A_130 = arith.constant 0 : i32
          %dma_wait3A_131 = tpu.memref_slice %arg8[%dma_wait3A_130] : memref<6400000xf32, #tpu.memory_space<hbm>> -> memref<3200xf32, #tpu.memory_space<hbm>>
          tpu.wait_dma2 semaphore(%arg46 : memref<!tpu.dma_semaphore, #tpu.memory_space<semaphore_mem>>) src(%arg37 : memref<3200xf32, #tpu.memory_space<vmem>>) dst(%dma_wait3A_131 : memref<3200xf32, #tpu.memory_space<hbm>>)
          %dma_wait3A_132 = arith.constant 0 : i32
          %dma_wait3A_133 = tpu.memref_slice %arg9[%dma_wait3A_132] : memref<6400000xf32, #tpu.memory_space<hbm>> -> memref<3200xf32, #tpu.memory_space<hbm>>
          %dma_wait3A_134 = arith.constant 0 : i32
          %dma_wait3A_135 = tpu.memref_slice %arg9[%dma_wait3A_134] : memref<6400000xf32, #tpu.memory_space<hbm>> -> memref<3200xf32, #tpu.memory_space<hbm>>
          tpu.wait_dma2 semaphore(%arg46 : memref<!tpu.dma_semaphore, #tpu.memory_space<semaphore_mem>>) src(%arg38 : memref<3200xf32, #tpu.memory_space<vmem>>) dst(%dma_wait3A_135 : memref<3200xf32, #tpu.memory_space<hbm>>)
          %dma_wait3A_136 = arith.constant 0 : i32
          %dma_wait3A_137 = tpu.memref_slice %arg10[%dma_wait3A_136] : memref<6400000xf32, #tpu.memory_space<hbm>> -> memref<3200xf32, #tpu.memory_space<hbm>>
          %dma_wait3A_138 = arith.constant 0 : i32
          %dma_wait3A_139 = tpu.memref_slice %arg10[%dma_wait3A_138] : memref<6400000xf32, #tpu.memory_space<hbm>> -> memref<3200xf32, #tpu.memory_space<hbm>>
          tpu.wait_dma2 semaphore(%arg46 : memref<!tpu.dma_semaphore, #tpu.memory_space<semaphore_mem>>) src(%arg39 : memref<3200xf32, #tpu.memory_space<vmem>>) dst(%dma_wait3A_139 : memref<3200xf32, #tpu.memory_space<hbm>>)
          %dma_wait3A_140 = arith.constant 0 : i32
          %dma_wait3A_141 = tpu.memref_slice %arg11[%dma_wait3A_140] : memref<6400000xf32, #tpu.memory_space<hbm>> -> memref<3200xf32, #tpu.memory_space<hbm>>
          %dma_wait3A_142 = arith.constant 0 : i32
          %dma_wait3A_143 = tpu.memref_slice %arg11[%dma_wait3A_142] : memref<6400000xf32, #tpu.memory_space<hbm>> -> memref<3200xf32, #tpu.memory_space<hbm>>
          tpu.wait_dma2 semaphore(%arg46 : memref<!tpu.dma_semaphore, #tpu.memory_space<semaphore_mem>>) src(%arg40 : memref<3200xf32, #tpu.memory_space<vmem>>) dst(%dma_wait3A_143 : memref<3200xf32, #tpu.memory_space<hbm>>)
        } else {
        }
        %scan3A = arith.constant 0 : i32
        %scan3A_106 = arith.constant 0 : i32
        %scan3A_107 = arith.constant 200 : i32
        %scan3A_108 = arith.addi %scan3A_106, %scan3A_107 : i32
        %scan3A_109 = arith.constant 1 : i32
        scf.for %scan3A_125 = %scan3A_106 to %scan3A_108 step %scan3A_109  : i32 {
          %mul3A_126 = arith.constant 16 : i32
          %mul3A_127 = arith.muli %scan3A_125, %mul3A_126 : i32
          %get3A = arith.index_cast %mul3A_127 : i32 to index
          %get3A_128 = tpu.vector_load %arg28[%get3A] {strides = array<i32>} : memref<3200xf32, #tpu.memory_space<vmem>>, vector<16xf32>,
          %get3A_129 = arith.index_cast %mul3A_127 : i32 to index
          %get3A_130 = tpu.vector_load %arg25[%get3A_129] {strides = array<i32>} : memref<3200xf32, #tpu.memory_space<vmem>>, vector<16xf32>,
          %sub3A_131 = arith.subf %get3A_128, %get3A_130 : vector<16xf32>
          %get3A_132 = arith.index_cast %mul3A_127 : i32 to index
          %get3A_133 = tpu.vector_load %arg29[%get3A_132] {strides = array<i32>} : memref<3200xf32, #tpu.memory_space<vmem>>, vector<16xf32>,
          %get3A_134 = arith.index_cast %mul3A_127 : i32 to index
          %get3A_135 = tpu.vector_load %arg26[%get3A_134] {strides = array<i32>} : memref<3200xf32, #tpu.memory_space<vmem>>, vector<16xf32>,
          %sub3A_136 = arith.subf %get3A_133, %get3A_135 : vector<16xf32>
          %get3A_137 = arith.index_cast %mul3A_127 : i32 to index
          %get3A_138 = tpu.vector_load %arg30[%get3A_137] {strides = array<i32>} : memref<3200xf32, #tpu.memory_space<vmem>>, vector<16xf32>,
          %get3A_139 = arith.index_cast %mul3A_127 : i32 to index
          %get3A_140 = tpu.vector_load %arg27[%get3A_139] {strides = array<i32>} : memref<3200xf32, #tpu.memory_space<vmem>>, vector<16xf32>,
          %sub3A_141 = arith.subf %get3A_138, %get3A_140 : vector<16xf32>
          %mul3A_142 = arith.mulf %sub3A_131, %sub3A_131 : vector<16xf32>
          %mul3A_143 = arith.mulf %sub3A_136, %sub3A_136 : vector<16xf32>
          %add3A_144 = arith.addf %mul3A_142, %mul3A_143 : vector<16xf32>
          %mul3A_145 = arith.mulf %sub3A_141, %sub3A_141 : vector<16xf32>
          %add3A_146 = arith.addf %add3A_144, %mul3A_145 : vector<16xf32>
          %max3A = arith.constant 1.000000e-30 : f32
          %max3A_147 = vector.broadcast %max3A : f32 to vector<16xf32>
          %max3A_148 = arith.maximumf %add3A_146, %max3A_147 : vector<16xf32>
          %bitcast3A = vector.bitcast %max3A_148 : vector<16xf32> to vector<16xi32>
          %shift_right_arithmetic3A = arith.constant 1 : i32
          %shift_right_arithmetic3A_149 = vector.broadcast %shift_right_arithmetic3A : i32 to vector<16xi32>
          %shift_right_arithmetic3A_150 = arith.shrsi %bitcast3A, %shift_right_arithmetic3A_149 : vector<16xi32>
          %sub3A_151 = arith.constant 1597463007 : i32
          %sub3A_152 = vector.broadcast %sub3A_151 : i32 to vector<16xi32>
          %sub3A_153 = arith.subi %sub3A_152, %shift_right_arithmetic3A_150 : vector<16xi32>
          %bitcast3A_154 = vector.bitcast %sub3A_153 : vector<16xi32> to vector<16xf32>
          %mul3A_155 = arith.constant 5.000000e-01 : f32
          %mul3A_156 = vector.broadcast %mul3A_155 : f32 to vector<16xf32>
          %mul3A_157 = arith.mulf %mul3A_156, %max3A_148 : vector<16xf32>
          %mul3A_158 = arith.mulf %mul3A_157, %bitcast3A_154 : vector<16xf32>
          %mul3A_159 = arith.mulf %mul3A_158, %bitcast3A_154 : vector<16xf32>
          %sub3A_160 = arith.constant 1.500000e+00 : f32
          %sub3A_161 = vector.broadcast %sub3A_160 : f32 to vector<16xf32>
          %sub3A_162 = arith.subf %sub3A_161, %mul3A_159 : vector<16xf32>
          %mul3A_163 = arith.mulf %bitcast3A_154, %sub3A_162 : vector<16xf32>
          %mul3A_164 = arith.constant 5.000000e-01 : f32
          %mul3A_165 = vector.broadcast %mul3A_164 : f32 to vector<16xf32>
          %mul3A_166 = arith.mulf %mul3A_165, %max3A_148 : vector<16xf32>
          %mul3A_167 = arith.mulf %mul3A_166, %mul3A_163 : vector<16xf32>
          %mul3A_168 = arith.mulf %mul3A_167, %mul3A_163 : vector<16xf32>
          %sub3A_169 = arith.constant 1.500000e+00 : f32
          %sub3A_170 = vector.broadcast %sub3A_169 : f32 to vector<16xf32>
          %sub3A_171 = arith.subf %sub3A_170, %mul3A_168 : vector<16xf32>
          %mul3A_172 = arith.mulf %mul3A_163, %sub3A_171 : vector<16xf32>
          %mul3A_173 = arith.constant 5.000000e-01 : f32
          %mul3A_174 = vector.broadcast %mul3A_173 : f32 to vector<16xf32>
          %mul3A_175 = arith.mulf %mul3A_174, %max3A_148 : vector<16xf32>
          %mul3A_176 = arith.mulf %mul3A_175, %mul3A_172 : vector<16xf32>
          %mul3A_177 = arith.mulf %mul3A_176, %mul3A_172 : vector<16xf32>
          %sub3A_178 = arith.constant 1.500000e+00 : f32
          %sub3A_179 = vector.broadcast %sub3A_178 : f32 to vector<16xf32>
          %sub3A_180 = arith.subf %sub3A_179, %mul3A_177 : vector<16xf32>
          %mul3A_181 = arith.mulf %mul3A_172, %sub3A_180 : vector<16xf32>
          %mul3A_182 = arith.mulf %add3A_146, %mul3A_181 : vector<16xf32>
          %lt3A_183 = arith.constant 5.000000e-01 : f32
          %lt3A_184 = vector.broadcast %lt3A_183 : f32 to vector<16xf32>
          %lt3A_185 = arith.cmpf olt, %mul3A_182, %lt3A_184 : vector<16xf32>
          %mul3A_186 = arith.constant 2.000000e+00 : f32
          %mul3A_187 = vector.broadcast %mul3A_186 : f32 to vector<16xf32>
          %mul3A_188 = arith.mulf %mul3A_182, %mul3A_187 : vector<16xf32>
          %min3A = arith.constant 1.000000e+00 : f32
          %min3A_189 = vector.broadcast %min3A : f32 to vector<16xf32>
          %min3A_190 = arith.minimumf %mul3A_188, %min3A_189 : vector<16xf32>
          %sub3A_191 = arith.constant 5.000000e-01 : f32
          %sub3A_192 = vector.broadcast %sub3A_191 : f32 to vector<16xf32>
          %sub3A_193 = arith.subf %min3A_190, %sub3A_192 : vector<16xf32>
          %mul3A_194 = arith.constant 3.14159274 : f32
          %mul3A_195 = vector.broadcast %mul3A_194 : f32 to vector<16xf32>
          %mul3A_196 = arith.mulf %sub3A_193, %mul3A_195 : vector<16xf32>
          %mul3A_197 = arith.mulf %mul3A_196, %mul3A_196 : vector<16xf32>
          %mul3A_198 = arith.constant 2.75573188E-6 : f32
          %mul3A_199 = vector.broadcast %mul3A_198 : f32 to vector<16xf32>
          %mul3A_200 = arith.mulf %mul3A_199, %mul3A_197 : vector<16xf32>
          %sub3A_201 = arith.constant 1.98412701E-4 : f32
          %sub3A_202 = vector.broadcast %sub3A_201 : f32 to vector<16xf32>
          %sub3A_203 = arith.subf %mul3A_200, %sub3A_202 : vector<16xf32>
          %mul3A_204 = arith.mulf %sub3A_203, %mul3A_197 : vector<16xf32>
          %add3A_205 = arith.constant 0.00833333377 : f32
          %add3A_206 = vector.broadcast %add3A_205 : f32 to vector<16xf32>
          %add3A_207 = arith.addf %mul3A_204, %add3A_206 : vector<16xf32>
          %mul3A_208 = arith.mulf %add3A_207, %mul3A_197 : vector<16xf32>
          %sub3A_209 = arith.constant 0.166666672 : f32
          %sub3A_210 = vector.broadcast %sub3A_209 : f32 to vector<16xf32>
          %sub3A_211 = arith.subf %mul3A_208, %sub3A_210 : vector<16xf32>
          %mul3A_212 = arith.mulf %sub3A_211, %mul3A_197 : vector<16xf32>
          %add3A_213 = arith.constant 1.000000e+00 : f32
          %add3A_214 = vector.broadcast %add3A_213 : f32 to vector<16xf32>
          %add3A_215 = arith.addf %mul3A_212, %add3A_214 : vector<16xf32>
          %mul3A_216 = arith.mulf %mul3A_196, %add3A_215 : vector<16xf32>
          %mul3A_217 = arith.constant 5.000000e-01 : f32
          %mul3A_218 = vector.broadcast %mul3A_217 : f32 to vector<16xf32>
          %mul3A_219 = arith.mulf %mul3A_218, %mul3A_216 : vector<16xf32>
          %sub3A_220 = arith.constant 5.000000e-01 : f32
          %sub3A_221 = vector.broadcast %sub3A_220 : f32 to vector<16xf32>
          %sub3A_222 = arith.subf %sub3A_221, %mul3A_219 : vector<16xf32>
          %jit3A_223 = arith.constant 0.000000e+00 : f32
          %broadcast_in_dim3A = vector.broadcast %jit3A_223 : f32 to vector<16xf32>
          %select_n3A_224 = arith.select %lt3A_185, %sub3A_222, %broadcast_in_dim3A : vector<16xi1>, vector<16xf32>
          %swap3A = arith.index_cast %mul3A_127 : i32 to index
          %swap3A_225 = tpu.vector_load %arg36[%swap3A] {strides = array<i32>} : memref<3200xf32, #tpu.memory_space<vmem>>, vector<16xf32>,
          tpu.vector_store %arg36[%swap3A], %sub3A_131 {strides = array<i32>} : memref<3200xf32, #tpu.memory_space<vmem>>, vector<16xf32>,
          %swap3A_226 = arith.index_cast %mul3A_127 : i32 to index
          %swap3A_227 = tpu.vector_load %arg37[%swap3A_226] {strides = array<i32>} : memref<3200xf32, #tpu.memory_space<vmem>>, vector<16xf32>,
          tpu.vector_store %arg37[%swap3A_226], %sub3A_136 {strides = array<i32>} : memref<3200xf32, #tpu.memory_space<vmem>>, vector<16xf32>,
          %swap3A_228 = arith.index_cast %mul3A_127 : i32 to index
          %swap3A_229 = tpu.vector_load %arg38[%swap3A_228] {strides = array<i32>} : memref<3200xf32, #tpu.memory_space<vmem>>, vector<16xf32>,
          tpu.vector_store %arg38[%swap3A_228], %sub3A_141 {strides = array<i32>} : memref<3200xf32, #tpu.memory_space<vmem>>, vector<16xf32>,
          %swap3A_230 = arith.index_cast %mul3A_127 : i32 to index
          %swap3A_231 = tpu.vector_load %arg39[%swap3A_230] {strides = array<i32>} : memref<3200xf32, #tpu.memory_space<vmem>>, vector<16xf32>,
          tpu.vector_store %arg39[%swap3A_230], %mul3A_182 {strides = array<i32>} : memref<3200xf32, #tpu.memory_space<vmem>>, vector<16xf32>,
          %swap3A_232 = arith.index_cast %mul3A_127 : i32 to index
          %swap3A_233 = tpu.vector_load %arg40[%swap3A_232] {strides = array<i32>} : memref<3200xf32, #tpu.memory_space<vmem>>, vector<16xf32>,
          tpu.vector_store %arg40[%swap3A_232], %select_n3A_224 {strides = array<i32>} : memref<3200xf32, #tpu.memory_space<vmem>>, vector<16xf32>,
        }
        %scan3A_110 = arith.constant 200 : i32
        %mul3A_111 = arith.constant 32 : i32
        %mul3A_112 = arith.muli %add3A_80, %mul3A_111 : i32
        %add3A_113 = arith.addi %mul3A_112, %add3A : i32
        %mul3A_114 = arith.constant 3200 : i32
        %mul3A_115 = arith.muli %add3A_113, %mul3A_114 : i32
        %dma_start3A = tpu.memref_slice %arg7[%mul3A_115] : memref<6400000xf32, #tpu.memory_space<hbm>> -> memref<3200xf32, #tpu.memory_space<hbm>>
        %dma_start3A_116 = tpu.memref_slice %arg7[%mul3A_115] : memref<6400000xf32, #tpu.memory_space<hbm>> -> memref<3200xf32, #tpu.memory_space<hbm>>
        tpu.enqueue_dma source(%arg36 : memref<3200xf32, #tpu.memory_space<vmem>>) target(%dma_start3A_116 : memref<3200xf32, #tpu.memory_space<hbm>>) target_semaphore(%arg46 : memref<!tpu.dma_semaphore, #tpu.memory_space<semaphore_mem>>)
        %dma_start3A_117 = tpu.memref_slice %arg8[%mul3A_115] : memref<6400000xf32, #tpu.memory_space<hbm>> -> memref<3200xf32, #tpu.memory_space<hbm>>
        %dma_start3A_118 = tpu.memref_slice %arg8[%mul3A_115] : memref<6400000xf32, #tpu.memory_space<hbm>> -> memref<3200xf32, #tpu.memory_space<hbm>>
        tpu.enqueue_dma source(%arg37 : memref<3200xf32, #tpu.memory_space<vmem>>) target(%dma_start3A_118 : memref<3200xf32, #tpu.memory_space<hbm>>) target_semaphore(%arg46 : memref<!tpu.dma_semaphore, #tpu.memory_space<semaphore_mem>>)
        %dma_start3A_119 = tpu.memref_slice %arg9[%mul3A_115] : memref<6400000xf32, #tpu.memory_space<hbm>> -> memref<3200xf32, #tpu.memory_space<hbm>>
        %dma_start3A_120 = tpu.memref_slice %arg9[%mul3A_115] : memref<6400000xf32, #tpu.memory_space<hbm>> -> memref<3200xf32, #tpu.memory_space<hbm>>
        tpu.enqueue_dma source(%arg38 : memref<3200xf32, #tpu.memory_space<vmem>>) target(%dma_start3A_120 : memref<3200xf32, #tpu.memory_space<hbm>>) target_semaphore(%arg46 : memref<!tpu.dma_semaphore, #tpu.memory_space<semaphore_mem>>)
        %dma_start3A_121 = tpu.memref_slice %arg10[%mul3A_115] : memref<6400000xf32, #tpu.memory_space<hbm>> -> memref<3200xf32, #tpu.memory_space<hbm>>
        %dma_start3A_122 = tpu.memref_slice %arg10[%mul3A_115] : memref<6400000xf32, #tpu.memory_space<hbm>> -> memref<3200xf32, #tpu.memory_space<hbm>>
        tpu.enqueue_dma source(%arg39 : memref<3200xf32, #tpu.memory_space<vmem>>) target(%dma_start3A_122 : memref<3200xf32, #tpu.memory_space<hbm>>) target_semaphore(%arg46 : memref<!tpu.dma_semaphore, #tpu.memory_space<semaphore_mem>>)
        %dma_start3A_123 = tpu.memref_slice %arg11[%mul3A_115] : memref<6400000xf32, #tpu.memory_space<hbm>> -> memref<3200xf32, #tpu.memory_space<hbm>>
        %dma_start3A_124 = tpu.memref_slice %arg11[%mul3A_115] : memref<6400000xf32, #tpu.memory_space<hbm>> -> memref<3200xf32, #tpu.memory_space<hbm>>
        tpu.enqueue_dma source(%arg40 : memref<3200xf32, #tpu.memory_space<vmem>>) target(%dma_start3A_124 : memref<3200xf32, #tpu.memory_space<hbm>>) target_semaphore(%arg46 : memref<!tpu.dma_semaphore, #tpu.memory_space<semaphore_mem>>)
      } else {
      }
    }
    %ge3A = arith.constant 1 : i32
    %ge3A_45 = arith.cmpi sge, %add3A_6, %ge3A : i32
    %convert_element_type3A_46 = arith.extui %ge3A_45 : i1 to i32
    %cond3A_47 = arith.constant 0 : i32
    %cond3A_48 = arith.cmpi ne, %convert_element_type3A_46, %cond3A_47 : i32
    scf.if %cond3A_48 {
      %dma_wait3A = arith.constant 0 : i32
      %dma_wait3A_54 = tpu.memref_slice %arg7[%dma_wait3A] : memref<6400000xf32, #tpu.memory_space<hbm>> -> memref<3200xf32, #tpu.memory_space<hbm>>
      %dma_wait3A_55 = arith.constant 0 : i32
      %dma_wait3A_56 = tpu.memref_slice %arg7[%dma_wait3A_55] : memref<6400000xf32, #tpu.memory_space<hbm>> -> memref<3200xf32, #tpu.memory_space<hbm>>
      tpu.wait_dma2 semaphore(%arg45 : memref<!tpu.dma_semaphore, #tpu.memory_space<semaphore_mem>>) src(%arg31 : memref<3200xf32, #tpu.memory_space<vmem>>) dst(%dma_wait3A_56 : memref<3200xf32, #tpu.memory_space<hbm>>)
      %dma_wait3A_57 = arith.constant 0 : i32
      %dma_wait3A_58 = tpu.memref_slice %arg8[%dma_wait3A_57] : memref<6400000xf32, #tpu.memory_space<hbm>> -> memref<3200xf32, #tpu.memory_space<hbm>>
      %dma_wait3A_59 = arith.constant 0 : i32
      %dma_wait3A_60 = tpu.memref_slice %arg8[%dma_wait3A_59] : memref<6400000xf32, #tpu.memory_space<hbm>> -> memref<3200xf32, #tpu.memory_space<hbm>>
      tpu.wait_dma2 semaphore(%arg45 : memref<!tpu.dma_semaphore, #tpu.memory_space<semaphore_mem>>) src(%arg32 : memref<3200xf32, #tpu.memory_space<vmem>>) dst(%dma_wait3A_60 : memref<3200xf32, #tpu.memory_space<hbm>>)
      %dma_wait3A_61 = arith.constant 0 : i32
      %dma_wait3A_62 = tpu.memref_slice %arg9[%dma_wait3A_61] : memref<6400000xf32, #tpu.memory_space<hbm>> -> memref<3200xf32, #tpu.memory_space<hbm>>
      %dma_wait3A_63 = arith.constant 0 : i32
      %dma_wait3A_64 = tpu.memref_slice %arg9[%dma_wait3A_63] : memref<6400000xf32, #tpu.memory_space<hbm>> -> memref<3200xf32, #tpu.memory_space<hbm>>
      tpu.wait_dma2 semaphore(%arg45 : memref<!tpu.dma_semaphore, #tpu.memory_space<semaphore_mem>>) src(%arg33 : memref<3200xf32, #tpu.memory_space<vmem>>) dst(%dma_wait3A_64 : memref<3200xf32, #tpu.memory_space<hbm>>)
      %dma_wait3A_65 = arith.constant 0 : i32
      %dma_wait3A_66 = tpu.memref_slice %arg10[%dma_wait3A_65] : memref<6400000xf32, #tpu.memory_space<hbm>> -> memref<3200xf32, #tpu.memory_space<hbm>>
      %dma_wait3A_67 = arith.constant 0 : i32
      %dma_wait3A_68 = tpu.memref_slice %arg10[%dma_wait3A_67] : memref<6400000xf32, #tpu.memory_space<hbm>> -> memref<3200xf32, #tpu.memory_space<hbm>>
      tpu.wait_dma2 semaphore(%arg45 : memref<!tpu.dma_semaphore, #tpu.memory_space<semaphore_mem>>) src(%arg34 : memref<3200xf32, #tpu.memory_space<vmem>>) dst(%dma_wait3A_68 : memref<3200xf32, #tpu.memory_space<hbm>>)
      %dma_wait3A_69 = arith.constant 0 : i32
      %dma_wait3A_70 = tpu.memref_slice %arg11[%dma_wait3A_69] : memref<6400000xf32, #tpu.memory_space<hbm>> -> memref<3200xf32, #tpu.memory_space<hbm>>
      %dma_wait3A_71 = arith.constant 0 : i32
      %dma_wait3A_72 = tpu.memref_slice %arg11[%dma_wait3A_71] : memref<6400000xf32, #tpu.memory_space<hbm>> -> memref<3200xf32, #tpu.memory_space<hbm>>
      tpu.wait_dma2 semaphore(%arg45 : memref<!tpu.dma_semaphore, #tpu.memory_space<semaphore_mem>>) src(%arg35 : memref<3200xf32, #tpu.memory_space<vmem>>) dst(%dma_wait3A_72 : memref<3200xf32, #tpu.memory_space<hbm>>)
    } else {
    }
    %ge3A_49 = arith.constant 2 : i32
    %ge3A_50 = arith.cmpi sge, %add3A_6, %ge3A_49 : i32
    %convert_element_type3A_51 = arith.extui %ge3A_50 : i1 to i32
    %cond3A_52 = arith.constant 0 : i32
    %cond3A_53 = arith.cmpi ne, %convert_element_type3A_51, %cond3A_52 : i32
    scf.if %cond3A_53 {
      %dma_wait3A = arith.constant 0 : i32
      %dma_wait3A_54 = tpu.memref_slice %arg7[%dma_wait3A] : memref<6400000xf32, #tpu.memory_space<hbm>> -> memref<3200xf32, #tpu.memory_space<hbm>>
      %dma_wait3A_55 = arith.constant 0 : i32
      %dma_wait3A_56 = tpu.memref_slice %arg7[%dma_wait3A_55] : memref<6400000xf32, #tpu.memory_space<hbm>> -> memref<3200xf32, #tpu.memory_space<hbm>>
      tpu.wait_dma2 semaphore(%arg46 : memref<!tpu.dma_semaphore, #tpu.memory_space<semaphore_mem>>) src(%arg36 : memref<3200xf32, #tpu.memory_space<vmem>>) dst(%dma_wait3A_56 : memref<3200xf32, #tpu.memory_space<hbm>>)
      %dma_wait3A_57 = arith.constant 0 : i32
      %dma_wait3A_58 = tpu.memref_slice %arg8[%dma_wait3A_57] : memref<6400000xf32, #tpu.memory_space<hbm>> -> memref<3200xf32, #tpu.memory_space<hbm>>
      %dma_wait3A_59 = arith.constant 0 : i32
      %dma_wait3A_60 = tpu.memref_slice %arg8[%dma_wait3A_59] : memref<6400000xf32, #tpu.memory_space<hbm>> -> memref<3200xf32, #tpu.memory_space<hbm>>
      tpu.wait_dma2 semaphore(%arg46 : memref<!tpu.dma_semaphore, #tpu.memory_space<semaphore_mem>>) src(%arg37 : memref<3200xf32, #tpu.memory_space<vmem>>) dst(%dma_wait3A_60 : memref<3200xf32, #tpu.memory_space<hbm>>)
      %dma_wait3A_61 = arith.constant 0 : i32
      %dma_wait3A_62 = tpu.memref_slice %arg9[%dma_wait3A_61] : memref<6400000xf32, #tpu.memory_space<hbm>> -> memref<3200xf32, #tpu.memory_space<hbm>>
      %dma_wait3A_63 = arith.constant 0 : i32
      %dma_wait3A_64 = tpu.memref_slice %arg9[%dma_wait3A_63] : memref<6400000xf32, #tpu.memory_space<hbm>> -> memref<3200xf32, #tpu.memory_space<hbm>>
      tpu.wait_dma2 semaphore(%arg46 : memref<!tpu.dma_semaphore, #tpu.memory_space<semaphore_mem>>) src(%arg38 : memref<3200xf32, #tpu.memory_space<vmem>>) dst(%dma_wait3A_64 : memref<3200xf32, #tpu.memory_space<hbm>>)
      %dma_wait3A_65 = arith.constant 0 : i32
      %dma_wait3A_66 = tpu.memref_slice %arg10[%dma_wait3A_65] : memref<6400000xf32, #tpu.memory_space<hbm>> -> memref<3200xf32, #tpu.memory_space<hbm>>
      %dma_wait3A_67 = arith.constant 0 : i32
      %dma_wait3A_68 = tpu.memref_slice %arg10[%dma_wait3A_67] : memref<6400000xf32, #tpu.memory_space<hbm>> -> memref<3200xf32, #tpu.memory_space<hbm>>
      tpu.wait_dma2 semaphore(%arg46 : memref<!tpu.dma_semaphore, #tpu.memory_space<semaphore_mem>>) src(%arg39 : memref<3200xf32, #tpu.memory_space<vmem>>) dst(%dma_wait3A_68 : memref<3200xf32, #tpu.memory_space<hbm>>)
      %dma_wait3A_69 = arith.constant 0 : i32
      %dma_wait3A_70 = tpu.memref_slice %arg11[%dma_wait3A_69] : memref<6400000xf32, #tpu.memory_space<hbm>> -> memref<3200xf32, #tpu.memory_space<hbm>>
      %dma_wait3A_71 = arith.constant 0 : i32
      %dma_wait3A_72 = tpu.memref_slice %arg11[%dma_wait3A_71] : memref<6400000xf32, #tpu.memory_space<hbm>> -> memref<3200xf32, #tpu.memory_space<hbm>>
      tpu.wait_dma2 semaphore(%arg46 : memref<!tpu.dma_semaphore, #tpu.memory_space<semaphore_mem>>) src(%arg40 : memref<3200xf32, #tpu.memory_space<vmem>>) dst(%dma_wait3A_72 : memref<3200xf32, #tpu.memory_space<hbm>>)
    } else {
    }
    return
  }
}

</mosaic_0001>

<sc_bundles>
// kernel: _run.3.cloned.1.call-start
scs
__scs_entry_jumppad:
0x0: {  	(pc) =	sbr.rel $0x88, $3  }
0x1: {  	(tag) =	ssettag $0x0;
	lr =	simm.s32 $0x1  }
0x2: {  	[smem:$0x3F9C] =	sst lr;
	_ =	strace $0xD0000000  }
0x3: {  	_ = 	snop  }
0x4: {  	_ = 	snop  }
0x5: {  	_ = 	snop  }
0x6: {  	_ = 	snop  }
0x7: {  	_ = 	snop  }
__scs_overlays_trampoline_lowered:
0x8: {  	[smem:$0x3FAB] =	sst s0  }
0x9: {  	[smem:$0x3FAC] =	sst s1  }
0xa: {  	[smem:$0x3FAD] =	sst s2  }
0xb: {  	[smem:$0x3FAE] =	sst s3  }
0xc: {  	[smem:$0x3FAF] =	sst s4  }
0xd: {  	[smem:$0x3FB0] =	sst s5  }
0xe: {  	[smem:$0x3FB1] =	sst s6  }
0xf: {  	[smem:$0x3FB2] =	sst s7  }
0x10: {  	[smem:$0x3FB3] =	sst s8  }
0x11: {  	[smem:$0x3FB4] =	sst s9;
	s0 =	simm.s32 @!p0 $0x0  }
0x12: {  	s1 =	sld [smem:$0x3F9A];
	s0 =	simm.s32 @p0 $0x1  }
0x13: {  	[smem:$0x3FB5] =	sst s0;
	s0 =	simm.s32 @!p1 $0x0  }
0x14: {  	s2 =	sld [smem:$0x3F99];
	s0 =	simm.s32 @p1 $0x1  }
0x15: {  	[smem:$0x3FB6] =	sst s0;
	s0 =	simm.s32 @!p2 $0x0  }
0x16: {  	s3 =	sld [smem:$0x3FDB];
	s0 =	simm.s32 @p2 $0x1  }
0x17: {  	s4 =	simm.s32 $0x1BF5;
	[smem:$0x3FB8] =	sst s0  }
0x18: {  	s0 =	sld [smem:$0x3F9B];
	_ =	swait.ge [sflag:s4], $0x0  }
0x19: {  	s7 =	sld [smem:$0x3F9C]  }
0x1a: {  	s8 =	sadd.s32 $0xFFFFE003, lr  }
0x1b: {  	s9 =	sadd.s32 $0xFFFFFEF7, lr;
	s5 =	simm.s32 $0xFFFFFFFF;
	p2 =	slt.u32 s8, $0xFFFFF086  }
0x1c: {  	p1 =	slt.u32 s9, $0xF7A;
	s5 =	simm.s32 @!p2 $0x0  }
0x1d: {  	s5 =	simm.s32 @p1 $0x1;
	p0 =	seq.s32 s7, s2  }
0x1e: {  	s7 =	smul.u32 @!p0 $0xF7A, s2;
	p2 =	seq.s32 @!p0 s5, $0x0  }
0x1f: {  	s9 =	smul.u32 $0xF7A, s1;
	s8 =	simm.s32 @!p0 $0x1BF5;
	p2 =	por !p2, p0  }
0x20: {  	[sflag:s8] =	ssyncset.s32 @!p0 $0xFFFFF086;
	s6 =	sadd.s32 @!p0 s3, s7;
	s7 =	simm.s32 @!p0 $0x108  }
0x21: {  	s3 =	sadd.s32 s3, s9;
	s6 =	sadd.s32 @!p0 $0x88, s6;
	s7 =	simm.s32 @p2 $0x1082  }
0x22: {  	[simem:s7], [sflag:s8] =	dma.local @!p0 [hbm:s6], $0xF7A  }
0x23: {  	s9 =	sor.u32 $0xD0000000, s2;
	s6 =	simm.s32 $0x108;
	_ =	swait.ge @!p0 [sflag:s8], $0x0  }
0x24: {  	s3 =	sadd.s32 $0x88, s3;
	s6 =	simm.s32 @!p1 $0x1082;
	[sflag:s4] =	ssyncset.s32 $0xFFFFF086  }
0x25: {  	[simem:s6], [sflag:s4] =	dma.local [hbm:s3], $0xF7A  }
0x26: {  	[smem:$0x3F9C] =	sst s1;
	(tag) =	ssettag s2;
	_ =	strace s9  }
0x27: {  	s1 =	sld [smem:$0x3FAC]  }
0x28: {  	s2 =	sld [smem:$0x3FAD]  }
0x29: {  	s4 =	sld [smem:$0x3FAF]  }
0x2a: {  	p0 =	seq.s32 s5, $0x0;
	s5 =	sld [smem:$0x3FB0]  }
0x2b: {  	s6 =	sld [smem:$0x3FB1]  }
0x2c: {  	s7 =	sld [smem:$0x3FB2]  }
0x2d: {  	s3 =	simm.s32 $0x108;
	s8 =	sld [smem:$0x3FB3]  }
0x2e: {  	s3 =	simm.s32 @!p0 $0x1082;
	s9 =	sld [smem:$0x3FB4]  }
0x2f: {  	lr =	sadd.s32 s0, s3;
	s0 =	sld [smem:$0x3FAB]  }
0x30: {  	s3 =	sld [smem:$0x3FAE]  }
0x31: {  	[smem:$0x3FB7] =	sst s10  }
0x32: {  	s10 =	sld [smem:$0x3FB5];
	_ =	sdelay $0x3  }
0x33: {  	p0 =	seq.s32 s10, $0x1;
	s10 =	sld [smem:$0x3FB7];
	_ =	sdelay $0x3  }
0x34: {  	[smem:$0x3FB7] =	sst s10  }
0x35: {  	s10 =	sld [smem:$0x3FB6];
	_ =	sdelay $0x3  }
0x36: {  	p1 =	seq.s32 s10, $0x1;
	s10 =	sld [smem:$0x3FB7];
	_ =	sdelay $0x3  }
0x37: {  	[smem:$0x3FB7] =	sst s10  }
0x38: {  	s10 =	sld [smem:$0x3FB8]  }
0x39: {  	_ = 	snop;
	(pc) =	sbr.ind lr, $3  }
0x3a: {  	_ = 	snop  }
0x3b: {  	_ = 	snop  }
0x3c: {  	p2 =	seq.s32 s10, $0x1;
	s10 =	sld [smem:$0x3FB7]  }
0x3d: {  	_ =	shalt  }
0x3e: {  	_ =	shalt  }
0x3f: {  	_ =	shalt  }
0x40: {  	_ =	shalt  }
0x41: {  	_ =	shalt  }
0x42: {  	_ =	shalt  }
0x43: {  	_ =	shalt  }
0x44: {  	_ =	shalt  }
0x45: {  	_ =	shalt  }
0x46: {  	_ =	shalt  }
0x47: {  	_ =	shalt  }
0x48: {  	_ =	shalt  }
0x49: {  	_ =	shalt  }
0x4a: {  	_ =	shalt  }
0x4b: {  	_ =	shalt  }
0x4c: {  	_ =	shalt  }
0x4d: {  	_ =	shalt  }
0x4e: {  	_ =	shalt  }
0x4f: {  	_ =	shalt  }
0x50: {  	_ =	shalt  }
0x51: {  	_ =	shalt  }
0x52: {  	_ =	shalt  }
0x53: {  	_ =	shalt  }
0x54: {  	_ =	shalt  }
0x55: {  	_ =	shalt  }
0x56: {  	_ =	shalt  }
0x57: {  	_ =	shalt  }
0x58: {  	_ =	shalt  }
0x59: {  	_ =	shalt  }
0x5a: {  	_ =	shalt  }
0x5b: {  	_ =	shalt  }
0x5c: {  	_ =	shalt  }
0x5d: {  	_ =	shalt  }
0x5e: {  	_ =	shalt  }
0x5f: {  	_ =	shalt  }
0x60: {  	_ =	shalt  }
0x61: {  	_ =	shalt  }
0x62: {  	_ =	shalt  }
0x63: {  	_ =	shalt  }
0x64: {  	_ =	shalt  }
0x65: {  	_ =	shalt  }
0x66: {  	_ =	shalt  }
0x67: {  	_ =	shalt  }
0x68: {  	_ =	shalt  }
0x69: {  	_ =	shalt  }
0x6a: {  	_ =	shalt  }
0x6b: {  	_ =	shalt  }
0x6c: {  	_ =	shalt  }
0x6d: {  	_ =	shalt  }
0x6e: {  	_ =	shalt  }
0x6f: {  	_ =	shalt  }
0x70: {  	_ =	shalt  }
0x71: {  	_ =	shalt  }
0x72: {  	_ =	shalt  }
0x73: {  	_ =	shalt  }
0x74: {  	_ =	shalt  }
0x75: {  	_ =	shalt  }
0x76: {  	_ =	shalt  }
0x77: {  	_ =	shalt  }
0x78: {  	_ =	shalt  }
0x79: {  	_ =	shalt  }
0x7a: {  	_ =	shalt  }
0x7b: {  	_ =	shalt  }
0x7c: {  	_ =	shalt  }
0x7d: {  	_ =	shalt  }
0x7e: {  	_ =	shalt  }
0x7f: {  	_ =	shalt  }
0x80: {  	_ =	shalt  }
0x81: {  	_ =	shalt  }
0x82: {  	_ =	shalt  }
0x83: {  	_ =	shalt  }
0x84: {  	_ =	shalt  }
0x85: {  	_ =	shalt  }
0x86: {  	_ =	shalt  }
0x87: {  	_ =	shalt  }
.Lfunc_end0:
.L_simem_size_0:
called_computation_lowered:
.L_overlay_start_0:
0x88: {  	s2 =	sld [smem:$0x3FD9]  }
0x89: {  	s3 =	sld [smem:$0x3FFE];
	_ =	sdelay $0x1  }
0x8a: {  	s1 =	srdreg.scid  }
0x8b: {  	s0 =	sand.u32 $0x1, s1  }
0x8c: {  	s30 =	sshll.u32 s0, $0xA;
	s2 =	sadd.s32 s3, s2  }
0x8d: {  	s2 =	sadd.s32 s2, s30  }
0x8e: {  	[smem:$0x3FC3] =	sst s2  }
0x8f: {  	_ = 	snop  }
0x90: {  	s2 =	sld [smem:$0x3FC9]  }
0x91: {  	s31 =	sld [smem:$0x3FC8]  }
0x92: {  	s4 =	sld [smem:$0x3FD0]  }
0x93: {  	s5 =	sld [smem:$0x3FC7]  }
0x94: {  	s6 =	sld [smem:$0x3FC6]  }
0x95: {  	s8 =	simm.s32 $0xA;
	s9 =	simm.s32 $0x10;
	s7 =	sld [smem:$0x3FC5]  }
0x96: {  	[smem:s9], [sflag:s8] =	dma.local [hbm:s4], $0x1  }
0x97: {  	_ =	swait.eq [sflag:s8], $0x1  }
0x98: {  	s17 =	sld [smem:$0x10]  }
0x99: {  	s18 =	sld [smem:$0x11]  }
0x9a: {  	s10 =	sld [smem:$0x12];
	[sflag:s8] =	ssyncset.done $0x0  }
0x9b: {  	s11 =	sld [smem:$0x13];
	[sflag:s8] =	ssyncadd.s32 $0xFFFFFFFF  }
0x9c: {  	s19 =	sld [smem:$0x14];
	(tm) =	ssettm $0x1  }
0x9d: {  	s12 =	sld [smem:$0x3FFB];
	_ =	sdelay $0x3  }
0x9e: {  	_ =	strace s12  }
0x9f: {  	s12 =	sld [smem:$0x3FFC];
	_ =	sdelay $0x3  }
0xa0: {  	_ =	strace s12  }
0xa1: {  	s12 =	sld [smem:$0x3FFD];
	_ =	sdelay $0x3  }
0xa2: {  	_ =	strace s12  }
0xa3: {  	_ =	strace $0x8FFFFFFF  }
0xa4: {  	s20 =	sld [smem:$0x3FDB];
	_ =	sdelay $0x1  }
0xa5: {  	s13 =	simm.s32 $_scs_section_size  }
0xa6: {  	s14 =	simm.s32 $_size__tile_overlayer_lowered;
	s15 =	simm.s32 $_tile_overlayer_lowered  }
0xa7: {  	s23 =	simm.s32 $0x1BFF;
	s22 =	sshll.u32 s15, $0x1;
	s12 =	sadd.s32 s13, s20  }
0xa8: {  	s16 =	simm.s32 $0x0;
	s21 =	sshll.u32 s14, $0x1;
	s14 =	sadd.s32 s22, s12  }
0xa9: {  	[timem:s16], [sflag:s23] =	dma.local [hbm:s14], s21  }
0xaa: {  	_ =	swait.ge [sflag:s23], s21  }
0xab: {  	s13 =	ssub.s32 $0x0, s21;
	[sflag:s23] =	ssyncset.done $0x0  }
0xac: {  	[sflag:s23] =	ssyncadd.s32 s13;
	_ =	sdelay $0x1  }
0xad: {  	s24 =	simm.s32 $0x1B8B  }
0xae: {  	_ =	swait.ge [sflag:s24], $0x1  }
0xaf: {  	[sflag:s24] =	ssyncset.done $0x0  }
0xb0: {  	s25 =	simm.s32 $0x1B8E;
	[sflag:s24] =	ssyncadd.s32 $0xFFFFFFFF  }
0xb1: {  	s26 =	simm.s32 $execute0_lowered;
	[smem:$0x3FD2] =	sst s25  }
0xb2: {  	s13 =	sshll.u32 s26, $0x1;
	_ =	strace $0x80000046;
	[dreg:$0x1] =	wrdreg $0xFFFFFFFF  }
0xb3: {  	s28 =	simm.s32 $_size_execute0_lowered;
	s12 =	sadd.s32 s12, s13;
	[dreg:$0x0] =	wrdreg $0x0  }
0xb4: {  	s13 =	sshll.u32 s28, $0x1;
	[dreg:$0x2] =	wrdreg s12  }
0xb5: {  	[dreg:$0x3] =	wrdreg s13  }
0xb6: {  	[dreg:$0x4] =	wrdreg $0xC0  }
0xb7: {  	_ =	task [dreg:s16], $0x5FFFF  }
0xb8: {  	[dreg:$0x1] =	wrdreg $0xFFFFFFFF  }
0xb9: {  	[dreg:$0x0] =	wrdreg $0x60  }
0xba: {  	[dreg:$0x2] =	wrdreg s2  }
0xbb: {  	[dreg:$0x3] =	wrdreg s31  }
0xbc: {  	[dreg:$0x4] =	wrdreg s5  }
0xbd: {  	[dreg:$0x5] =	wrdreg s6  }
0xbe: {  	[dreg:$0x6] =	wrdreg s7  }
0xbf: {  	[dreg:$0x7] =	wrdreg s17  }
0xc0: {  	[dreg:$0x8] =	wrdreg s18  }
0xc1: {  	[dreg:$0x9] =	wrdreg s10  }
0xc2: {  	[dreg:$0xa] =	wrdreg s11  }
0xc3: {  	[dreg:$0xb] =	wrdreg s19  }
0xc4: {  	[dreg:$0xc] =	wrdreg $0x0  }
0xc5: {  	[dreg:$0xd] =	wrdreg $0x18700  }
0xc6: {  	[dreg:$0xe] =	wrdreg $0x30E00  }
0xc7: {  	[dreg:$0xf] =	wrdreg $0x9  }
0xc8: {  	_ =	task.clear_ibuf [dreg:s16], $0x10FFFF;
	_ =	strace $0x90000046  }
0xc9: {  	s29 =	simm.s32 $0x9;
	_ =	strace $0x80000048  }
0xca: {  	_ =	swait.ge [sflag:s29], $0x1  }
0xcb: {  	[sflag:s29] =	ssyncadd.s32 $0xFFFFFFFF  }
0xcc: {  	_ =	strace $0x90000048  }
0xcd: {  	_ =	sfence  }
0xce: {  	s30 =	sld [smem:$0x0];
	_ =	sdelay $0x2  }
0xcf: {  	s31 =	sshll.u32 s1, $0xD;
	s1 =	sshrl.u32 s1, $0x2  }
0xd0: {  	s3 =	sand.u32 $0x4000, s31;
	s1 =	sadd.s32 s1, s30  }
0xd1: {  	s0 =	sor.u32 s3, s0;
	s1 =	sshll.u32 s1, $0x11  }
0xd2: {  	s0 =	sor.u32 s1, s0  }
0xd3: {  	s0 =	sadd.s32 $0x8F2B, s0  }
0xd4: {  	[sflag:s0] =	ssyncadd.remote.s32 $0x1  }
0xd5: {  	_ =	sfence.sel $0xFFFF  }
0xd6: {  	[dreg:$0x0] =	wrdreg $0xFFFFFFFF;
	(pc) =	sbr.abs _section_cstart, $3  }
0xd7: {  	[dreg:$0x1] =	wrdreg $0xFFFFFFFF  }
0xd8: {  	_ =	task.clear_ibuf [dreg:s16], $0x2FFFF;
	_ =	strace $0x9FFFFFFF  }
0xd9: {  	(tm) =	ssettm $0x7FFFFFFF  }
tec
execute0_lowered:
.L_overlay_start_1:
0x0: {  	(tag) =	ssettag $0x1  }
0x1: {  	s3 =	rddreg [dreg:$0x3]  }
0x2: {  	s4 =	rddreg [dreg:$0x4]  }
0x3: {  	s5 =	rddreg [dreg:$0x5]  }
0x4: {  	s6 =	rddreg [dreg:$0x6]  }
0x5: {  	s7 =	rddreg [dreg:$0x7]  }
0x6: {  	s8 =	rddreg [dreg:$0x8]  }
0x7: {  	s9 =	rddreg [dreg:$0x9]  }
0x8: {  	s10 =	rddreg [dreg:$0xa]  }
0x9: {  	s11 =	rddreg [dreg:$0xb];
	s0 =	srdreg.scid  }
0xa: {  	s1 =	stileid.u32;
	s13 =	rddreg [dreg:$0xc]  }
0xb: {  	s14 =	simm.s32 $0x0;
	s16 =	simm.s32 $0x3F;
	s19 =	simm.s32 $0x20  }
0xc: {  	s18 =	simm.s32 $0x15C50;
	s0 =	sand.u32 $0x1, s0;
	s2 =	sshll.u32 s1, $0x1  }
0xd: {  	[smem:$0x7FF] =	sst s14;
	p0 =	slt.u32 s1, $0x8;
	s15 =	sor.u32 s0, s2  }
0xe: {  	s0 =	ssub.s32 $0x2, s0;
	_ =	strace $0x80000047;
	s2 =	smul.u32 $0x190, s15  }
0xf: {  	s16 =	simm.s32 @!p0 $0x3E;
	s19 =	simm.s32 @!p0 $0x1F;
	p0 =	sne.s32 s1, $0x0  }
0x10: {  	s12 =	sshrl.u32 s0, $0x1;
	s17 =	smul.u32 $0xC80, s15;
	s28 =	sadd.s32 s3, s2  }
0x11: {  	s0 =	ssub.s32 s0, s12;
	s2 =	sadd.s32 s4, s2;
	[dreg:$0xe] =	wrdreg s28  }
0x12: {  	s29 =	sshrl.u32 s17, $0x3;
	s0 =	smax.u32 s0, $0x1;
	[dreg:$0xf] =	wrdreg s2  }
0x13: {  	s30 =	sadd.s32 $0x3200, s29;
	[dreg:$0x12] =	wrdreg s0;
	s0 =	sshrl.u32 @!p0 s10, $0x3  }
.Ltmp0:
0x14: {  	s12 =	sadd.s32 s3, s30;
	[dreg:$0x13] =	wrdreg s0;
	(pc) =	sbr.rel .LBB2_1-.Ltmp0, $4  }
0x15: {  	s20 =	simm.s32 $0x168D0;
	s31 =	sadd.s32 s4, s30;
	[dreg:$0x10] =	wrdreg s12  }
0x16: {  	s21 =	simm.s32 $0x17550;
	s0 =	sshrl.u32 @!p0 s11, $0x3;
	[dreg:$0x11] =	wrdreg s31  }
0x17: {  	s22 =	simm.s32 $0x181D0;
	[dreg:$0x14] =	wrdreg s0;
	s0 =	sshrl.u32 @!p0 s13, $0x3  }
0x18: {  	s17 =	simm.s32 $0x14FD0;
	s2 =	simm.s32 $0x0;
	[dreg:$0x15] =	wrdreg s0  }
.LBB2_11:
0x19: {  	s0 =	simm.s32 $0x5  }
0x1a: {  	_ =	swait.ge [sflag:s0], $0xC80  }
0x1b: {  	[sflag:s0] =	ssyncset.done $0x0  }
0x1c: {  	[sflag:s0] =	ssyncadd.s32 $0xFFFFF380  }
0x1d: {  	_ =	swait.ge [sflag:s0], $0xC80  }
0x1e: {  	[sflag:s0] =	ssyncset.done $0x0  }
0x1f: {  	[sflag:s0] =	ssyncadd.s32 $0xFFFFF380  }
0x20: {  	_ =	swait.ge [sflag:s0], $0xC80  }
0x21: {  	[sflag:s0] =	ssyncset.done $0x0  }
0x22: {  	[sflag:s0] =	ssyncadd.s32 $0xFFFFF380  }
0x23: {  	_ =	swait.ge [sflag:s0], $0xC80  }
0x24: {  	[sflag:s0] =	ssyncset.done $0x0  }
0x25: {  	[sflag:s0] =	ssyncadd.s32 $0xFFFFF380  }
0x26: {  	_ =	swait.ge [sflag:s0], $0xC80  }
0x27: {  	[sflag:s0] =	ssyncset.done $0x0  }
0x28: {  	s1 =	simm.s32 $0x6;
	[sflag:s0] =	ssyncadd.s32 $0xFFFFF380  }
0x29: {  	_ =	swait.ge [sflag:s1], $0xC80  }
0x2a: {  	[sflag:s1] =	ssyncset.done $0x0  }
0x2b: {  	[sflag:s1] =	ssyncadd.s32 $0xFFFFF380  }
0x2c: {  	_ =	swait.ge [sflag:s1], $0xC80  }
0x2d: {  	[sflag:s1] =	ssyncset.done $0x0  }
0x2e: {  	[sflag:s1] =	ssyncadd.s32 $0xFFFFF380  }
0x2f: {  	_ =	swait.ge [sflag:s1], $0xC80  }
0x30: {  	[sflag:s1] =	ssyncset.done $0x0  }
0x31: {  	[sflag:s1] =	ssyncadd.s32 $0xFFFFF380  }
0x32: {  	_ =	swait.ge [sflag:s1], $0xC80  }
0x33: {  	[sflag:s1] =	ssyncset.done $0x0  }
0x34: {  	[sflag:s1] =	ssyncadd.s32 $0xFFFFF380  }
0x35: {  	_ =	swait.ge [sflag:s1], $0xC80  }
0x36: {  	s2 =	rddreg [dreg:$0x16]  }
0x37: {  	s31 =	rddreg [dreg:$0x12];
	s2 =	sadd.s32 $0x1, s2  }
0x38: {  	p1 =	sne.s32 s2, s31  }
.Ltmp1:
0x39: {  	_ = 	snop;
	(pc) =	sbr.rel @!p1 .LBB2_12-.Ltmp1, $3  }
0x3a: {  	_ =	sdelay $0x1  }
0x3b: {  	[sflag:s1] =	ssyncset.done $0x0  }
0x3c: {  	[sflag:s1] =	ssyncadd.s32 $0xFFFFF380  }
.LBB2_1:
0x3d: {  	[dreg:$0x16] =	wrdreg s2  }
0x3e: {  	s1 =	rddreg [dreg:$0x0]  }
0x3f: {  	s0 =	simm.s32 @!p0 $0x1C07;
	s2 =	rddreg [dreg:$0x13]  }
0x40: {  	[spmem:s2], [sflag:s0] =	dma.local @!p0 [hbm:s1], $0x30E0  }
0x41: {  	s1 =	simm.s32 @!p0 $0x7  }
0x42: {  	_ =	swait.ge @!p0 [sflag:s1], $0x30E0  }
0x43: {  	[sflag:s1] =	ssyncset.done @!p0 $0x0  }
0x44: {  	s12 =	rddreg [dreg:$0x14];
	[sflag:s1] =	ssyncadd.s32 @!p0 $0xFFFFCF20  }
0x45: {  	s2 =	rddreg [dreg:$0x1]  }
0x46: {  	[spmem:s12], [sflag:s0] =	dma.local @!p0 [hbm:s2], $0x30E0  }
0x47: {  	_ =	swait.ge @!p0 [sflag:s1], $0x30E0  }
0x48: {  	[sflag:s1] =	ssyncset.done @!p0 $0x0  }
0x49: {  	s12 =	rddreg [dreg:$0x15];
	[sflag:s1] =	ssyncadd.s32 @!p0 $0xFFFFCF20  }
0x4a: {  	s2 =	rddreg [dreg:$0x2]  }
0x4b: {  	[spmem:s12], [sflag:s0] =	dma.local @!p0 [hbm:s2], $0x30E0  }
0x4c: {  	_ =	swait.ge @!p0 [sflag:s1], $0x30E0  }
0x4d: {  	[sflag:s1] =	ssyncset.done @!p0 $0x0  }
0x4e: {  	[sflag:s1] =	ssyncadd.s32 @!p0 $0xFFFFCF20  }
0x4f: {  	[bflag:$0x0] =	sbarrier.arrive $0xFFFF  }
0x50: {  	s25 =	simm.s32 $0x4950;
	s24 =	rddreg [dreg:$0xe]  }
0x51: {  	[tilespmem:s25], [sflag:$0x1] =	stream.linear.gather [hbm4b:s24+s14], $0xC80, $0x38;
	[tilespmem:$0x18E50] =	vst v63  }
0x52: {  	s28 =	simm.s32 $0x1;
	s2 =	simm.s32 $0x55D0;
	s26 =	rddreg [dreg:$0xf]  }
0x53: {  	[tilespmem:s2], [sflag:$0x1] =	stream.linear.gather [hbm4b:s26+s14], $0xC80, $0x38;
	[tilespmem:$0x18E50] =	vst v63  }
0x54: {  	_ =	swait.ge [sflag:s28], $0xC80  }
0x55: {  	[sflag:s28] =	ssyncset.done $0x0  }
0x56: {  	[sflag:s28] =	ssyncadd.s32 $0xFFFFF380  }
0x57: {  	_ =	swait.ge [sflag:s28], $0xC80  }
0x58: {  	[sflag:s28] =	ssyncset.done $0x0  }
0x59: {  	s29 =	simm.s32 $0xC80;
	s30 =	simm.s32 $0x7B50;
	[sflag:s28] =	ssyncadd.s32 $0xFFFFF380  }
0x5a: {  	[tilespmem:s30], [sflag:$0x3] =	stream.indirect.gather [spmem:s10], $0x1, s25, s29, $0xb8;
	[tilespmem:$0x18E50] =	vst v63  }
0x5b: {  	s31 =	simm.s32 $0x87D0  }
0x5c: {  	[tilespmem:s31], [sflag:$0x3] =	stream.indirect.gather [spmem:s11], $0x1, s25, s29, $0xb8;
	[tilespmem:$0x18E50] =	vst v63  }
0x5d: {  	s23 =	simm.s32 $0x9450  }
0x5e: {  	[tilespmem:s23], [sflag:$0x3] =	stream.indirect.gather [spmem:s13], $0x1, s25, s29, $0xb8;
	[tilespmem:$0x18E50] =	vst v63  }
0x5f: {  	s24 =	simm.s32 $0xA0D0  }
0x60: {  	[tilespmem:s24], [sflag:$0x3] =	stream.indirect.gather [spmem:s10], $0x1, s2, s29, $0xb8;
	[tilespmem:$0x18E50] =	vst v63  }
0x61: {  	s25 =	simm.s32 $0xAD50  }
0x62: {  	[tilespmem:s25], [sflag:$0x3] =	stream.indirect.gather [spmem:s11], $0x1, s2, s29, $0xb8;
	[tilespmem:$0x18E50] =	vst v63  }
0x63: {  	s26 =	simm.s32 $0xB9D0  }
0x64: {  	[tilespmem:s26], [sflag:$0x3] =	stream.indirect.gather [spmem:s13], $0x1, s2, s29, $0xb8;
	[tilespmem:$0x18E50] =	vst v63  }
.Ltmp2:
0x65: {  	_ = 	snop;
	(pc) =	sbr.rel .LBB2_2-.Ltmp2, $4  }
0x66: {  	s28 =	rddreg [dreg:$0x10];
	s29 =	simm.s32 $0x6250  }
0x67: {  	[tilespmem:s29], [sflag:$0x2] =	stream.linear.gather [hbm4b:s28+s14], $0xC80, $0x38;
	[tilespmem:$0x18E50] =	vst v63  }
0x68: {  	s30 =	rddreg [dreg:$0x11];
	s31 =	simm.s32 $0x6ED0;
	s26 =	simm.s32 $0x0  }
0x69: {  	[tilespmem:s31], [sflag:$0x2] =	stream.linear.gather [hbm4b:s30+s14], $0xC80, $0x38;
	[tilespmem:$0x18E50] =	vst v63  }
.LBB2_10:
0x6a: {  	s26 =	sadd.s32 $0x1, s26  }
0x6b: {  	p1 =	sne.s32 s26, s19  }
.Ltmp3:
0x6c: {  	_ = 	snop;
	(pc) =	sbr.rel @!p1 .LBB2_11-.Ltmp3, $1  }
0x6d: {  	_ =	sdelay $0x3  }
.LBB2_2:
0x6e: {  	s28 =	sshllo.u32 s26, $0x1  }
0x6f: {  	p1 =	sge.u32 s28, s16  }
0x70: {  	s0 =	simm.s32 @!p1 $0x2  }
0x71: {  	_ =	swait.ge @!p1 [sflag:s0], $0xC80  }
0x72: {  	[sflag:s0] =	ssyncset.done @!p1 $0x0  }
0x73: {  	[sflag:s0] =	ssyncadd.s32 @!p1 $0xFFFFF380  }
0x74: {  	_ =	swait.ge @!p1 [sflag:s0], $0xC80  }
0x75: {  	s1 =	simm.s32 @!p1 $0x6250;
	[sflag:s0] =	ssyncset.done @!p1 $0x0  }
0x76: {  	s2 =	simm.s32 @!p1 $0xC650;
	[sflag:s0] =	ssyncadd.s32 @!p1 $0xFFFFF380;
	s0 =	simm.s32 @!p1 $0xC80  }
0x77: {  	[tilespmem:s2], [sflag:$0x4] =	stream.indirect.gather @!p1 [spmem:s10], $0x1, s1, s0, $0xb8;
	[tilespmem:$0x18E50] =	vst v63  }
0x78: {  	s2 =	simm.s32 @!p1 $0xD2D0  }
0x79: {  	[tilespmem:s2], [sflag:$0x4] =	stream.indirect.gather @!p1 [spmem:s11], $0x1, s1, s0, $0xb8;
	[tilespmem:$0x18E50] =	vst v63  }
0x7a: {  	s2 =	simm.s32 @!p1 $0xDF50  }
0x7b: {  	[tilespmem:s2], [sflag:$0x4] =	stream.indirect.gather @!p1 [spmem:s13], $0x1, s1, s0, $0xb8;
	[tilespmem:$0x18E50] =	vst v63  }
0x7c: {  	s1 =	simm.s32 @!p1 $0x6ED0;
	s2 =	simm.s32 @!p1 $0xEBD0  }
0x7d: {  	[tilespmem:s2], [sflag:$0x4] =	stream.indirect.gather @!p1 [spmem:s10], $0x1, s1, s0, $0xb8;
	[tilespmem:$0x18E50] =	vst v63  }
0x7e: {  	s29 =	sshll.u32 s26, $0x1;
	s2 =	simm.s32 @!p1 $0xF850  }
0x7f: {  	[tilespmem:s2], [sflag:$0x4] =	stream.indirect.gather @!p1 [spmem:s11], $0x1, s1, s0, $0xb8;
	[tilespmem:$0x18E50] =	vst v63  }
0x80: {  	p4 =	sge.u32 s29, s16;
	s2 =	simm.s32 @!p1 $0x104D0  }
0x81: {  	[tilespmem:s2], [sflag:$0x4] =	stream.indirect.gather @!p1 [spmem:s13], $0x1, s1, s0, $0xb8;
	[tilespmem:$0x18E50] =	vst v63  }
0x82: {  	s0 =	simm.s32 @!p4 $0x3  }
0x83: {  	_ =	swait.ge @!p4 [sflag:s0], $0xC80  }
0x84: {  	[sflag:s0] =	ssyncset.done @!p4 $0x0  }
0x85: {  	[sflag:s0] =	ssyncadd.s32 @!p4 $0xFFFFF380  }
0x86: {  	_ =	swait.ge @!p4 [sflag:s0], $0xC80  }
0x87: {  	[sflag:s0] =	ssyncset.done @!p4 $0x0  }
0x88: {  	[sflag:s0] =	ssyncadd.s32 @!p4 $0xFFFFF380  }
0x89: {  	_ =	swait.ge @!p4 [sflag:s0], $0xC80  }
0x8a: {  	[sflag:s0] =	ssyncset.done @!p4 $0x0  }
0x8b: {  	[sflag:s0] =	ssyncadd.s32 @!p4 $0xFFFFF380  }
0x8c: {  	_ =	swait.ge @!p4 [sflag:s0], $0xC80  }
0x8d: {  	[sflag:s0] =	ssyncset.done @!p4 $0x0  }
0x8e: {  	s1 =	sadd.s32 $0x2, s29;
	[sflag:s0] =	ssyncadd.s32 @!p4 $0xFFFFF380  }
0x8f: {  	p3 =	sge.u32 s1, s16;
	_ =	swait.ge @!p4 [sflag:s0], $0xC80  }
0x90: {  	s1 =	sshll.u32 @!p3 s1, $0x5;
	[sflag:s0] =	ssyncset.done @!p4 $0x0  }
0x91: {  	s1 =	sor.u32 @!p3 s15, s1;
	[sflag:s0] =	ssyncadd.s32 @!p4 $0xFFFFF380  }
0x92: {  	s1 =	smul.u32 @!p3 $0x190, s1;
	_ =	swait.ge @!p4 [sflag:s0], $0xC80  }
.Ltmp4:
0x93: {  	s2 =	simm.s32 @!p3 $0x0;
	[sflag:s0] =	ssyncset.done @!p4 $0x0;
	(pc) =	sbr.rel @p4 .LBB2_6-.Ltmp4, $4  }
0x94: {  	s25 =	simm.s32 @!p3 $0x4950;
	[sflag:s0] =	ssyncadd.s32 @!p4 $0xFFFFF380;
	s0 =	sadd.s32 @!p3 s3, s1  }
0x95: {  	[tilespmem:s25], [sflag:$0x1] =	stream.linear.gather @!p3 [hbm4b:s0+s2], $0xC80, $0x38;
	[tilespmem:$0x18E50] =	vst v63  }
0x96: {  	p2 =	seq.s32 s26, $0x0;
	s30 =	simm.s32 @!p3 $0x55D0;
	s0 =	sadd.s32 @!p3 s4, s1  }
0x97: {  	[tilespmem:s30], [sflag:$0x1] =	stream.linear.gather @!p3 [hbm4b:s0+s2], $0xC80, $0x38;
	[tilespmem:$0x18E50] =	vst v63  }
0x98: {  	s0 =	simm.s32 @!p2 $0x5  }
0x99: {  	_ =	swait.ge @!p2 [sflag:s0], $0xC80  }
0x9a: {  	[sflag:s0] =	ssyncset.done @!p2 $0x0  }
0x9b: {  	[sflag:s0] =	ssyncadd.s32 @!p2 $0xFFFFF380  }
0x9c: {  	_ =	swait.ge @!p2 [sflag:s0], $0xC80  }
0x9d: {  	[sflag:s0] =	ssyncset.done @!p2 $0x0  }
0x9e: {  	[sflag:s0] =	ssyncadd.s32 @!p2 $0xFFFFF380  }
0x9f: {  	_ =	swait.ge @!p2 [sflag:s0], $0xC80  }
0xa0: {  	[sflag:s0] =	ssyncset.done @!p2 $0x0  }
0xa1: {  	[sflag:s0] =	ssyncadd.s32 @!p2 $0xFFFFF380  }
0xa2: {  	_ =	swait.ge @!p2 [sflag:s0], $0xC80  }
0xa3: {  	[sflag:s0] =	ssyncset.done @!p2 $0x0  }
0xa4: {  	[sflag:s0] =	ssyncadd.s32 @!p2 $0xFFFFF380  }
0xa5: {  	_ =	swait.ge @!p2 [sflag:s0], $0xC80  }
0xa6: {  	[sflag:s0] =	ssyncset.done @!p2 $0x0  }
0xa7: {  	s23 =	simm.s32 $0x0;
	[sflag:s0] =	ssyncadd.s32 @!p2 $0xFFFFF380  }
0xa8: {  	v0 =	vld [tilespmem:s23+$0xA0D0]  }
0xa9: {  	v1 =	vld [tilespmem:s23+$0x7B50];
	_ =	sdelay $0x3  }
0xaa: {  	v3 =	vld [tilespmem:s23+$0x87D0]  }
0xab: {  	v0 =	vsub.f32 v0, v1;
	v1 =	vld [tilespmem:s23+$0xAD50]  }
0xac: {  	v2 =	vld [tilespmem:s23+$0xB9D0]  }
0xad: {  	v4 =	vld [tilespmem:s23+$0x9450];
	_ =	sdelay $0x2  }
0xae: {  	v1 =	vsub.f32 v1, v3  }
0xaf: {  	s24 =	simm.s32 $0x10;
	[tilespmem:s23+$0x11150] =	vst v0  }
0xb0: {  	v2 =	vsub.f32 v2, v4;
	v0 =	vmul.f32 v0, v0;
	v5 =	vld [tilespmem:s24+$0x7B50];
	v4 =	vmul.f32 v1, v1  }
0xb1: {  	v3 =	vld [tilespmem:s24+$0xA0D0]  }
0xb2: {  	v6 =	vmul.f32 v2, v2;
	v0 =	vadd.f32 v4, v0;
	_ =	sdelay $0x1  }
0xb3: {  	v0 =	vadd.f32 v6, v0  }
0xb4: {  	[tilespmem:s23+$0x12A50] =	vst v2  }
0xb5: {  	[tilespmem:s23+$0x11DD0] =	vst v1;
	v2 =	vsub.f32 v3, v5;
	v3 =	vmax.f32 v0, $1.000000000e-30  }
0xb6: {  	v4 =	vld [tilespmem:s24+$0xAD50];
	v6 =	vshra.s32 v3, $0x1;
	v3 =	vmul.f32 $5.000000000e-01, v3  }
0xb7: {  	v5 =	vld [tilespmem:s24+$0x87D0];
	v6 =	vsub.s32 $0x5F3759DF, v6  }
0xb8: {  	v1 =	vld [tilespmem:s24+$0xB9D0];
	v8 =	vmul.f32 v6, v3  }
0xb9: {  	v7 =	vld [tilespmem:s24+$0x9450]  }
0xba: {  	v8 =	vmul.f32 v6, v8;
	_ =	sdelay $0x1  }
0xbb: {  	v4 =	vsub.f32 v4, v5;
	v5 =	vsub.f32 $1.500000000e+00, v8  }
0xbc: {  	[tilespmem:s24+$0x11150] =	vst v2;
	v2 =	vmul.f32 v2, v2  }
0xbd: {  	s1 =	simm.s32 $0x20;
	v1 =	vsub.f32 v1, v7;
	v7 =	vmul.f32 v4, v4;
	v5 =	vmul.f32 v6, v5  }
0xbe: {  	v9 =	vld [tilespmem:s1+$0x7B50]  }
0xbf: {  	v2 =	vadd.f32 v7, v2;
	v8 =	vld [tilespmem:s1+$0xA0D0];
	[tilespmem:s24+$0x11DD0] =	vst v4;
	v6 =	vmul.f32 v1, v1;
	v4 =	vmul.f32 v5, v3;
	_ =	sdelay $0x1  }
0xc0: {  	[tilespmem:s24+$0x12A50] =	vst v1;
	v1 =	vadd.f32 v6, v2;
	v4 =	vmul.f32 v4, v5;
	_ =	sdelay $0x1  }
0xc1: {  	v7 =	vmax.f32 v1, $1.000000000e-30;
	v4 =	vsub.f32 $1.500000000e+00, v4  }
0xc2: {  	v6 =	vsub.f32 v8, v9;
	v8 =	vld [tilespmem:s1+$0xAD50];
	v10 =	vshra.s32 v7, $0x1;
	v7 =	vmul.f32 $5.000000000e-01, v7  }
0xc3: {  	v9 =	vld [tilespmem:s1+$0x87D0];
	v10 =	vsub.s32 $0x5F3759DF, v10;
	v4 =	vmul.f32 v4, v5  }
0xc4: {  	v11 =	vld [tilespmem:s1+$0x9450];
	v5 =	vmul.f32 v10, v7  }
0xc5: {  	v2 =	vld [tilespmem:s1+$0xB9D0];
	v3 =	vmul.f32 v4, v3  }
0xc6: {  	v5 =	vmul.f32 v10, v5  }
0xc7: {  	v3 =	vmul.f32 v3, v4  }
0xc8: {  	v8 =	vsub.f32 v8, v9;
	v5 =	vsub.f32 $1.500000000e+00, v5  }
0xc9: {  	s2 =	simm.s32 $0x30;
	[tilespmem:s1+$0x11150] =	vst v6;
	v6 =	vmul.f32 v6, v6;
	v3 =	vsub.f32 $1.500000000e+00, v3  }
0xca: {  	v12 =	vld [tilespmem:s2+$0x7B50];
	v2 =	vsub.f32 v2, v11;
	v9 =	vmul.f32 v8, v8;
	v10 =	vmul.f32 v10, v5  }
0xcb: {  	v5 =	vld [tilespmem:s2+$0xA0D0];
	v3 =	vmul.f32 v3, v4  }
0xcc: {  	v11 =	vmul.f32 v2, v2;
	v6 =	vadd.f32 v9, v6;
	v9 =	vmul.f32 v10, v7  }
0xcd: {  	[tilespmem:s1+$0x11DD0] =	vst v8;
	v0 =	vmul.f32 v3, v0  }
0xce: {  	[tilespmem:s1+$0x12A50] =	vst v2;
	v4 =	vadd.f32 v11, v6;
	v2 =	vmul.f32 v9, v10  }
0xcf: {  	v8 =	vld [tilespmem:s2+$0xAD50];
	v9 =	vadd.f32 v0, v0  }
0xd0: {  	v6 =	vld [tilespmem:s2+$0xB9D0];
	v3 =	vmax.f32 v4, $1.000000000e-30;
	v11 =	vsub.f32 v5, v12;
	v2 =	vsub.f32 $1.500000000e+00, v2;
	[tilespmem:s23+$0x136D0] =	vst v0  }
0xd1: {  	v12 =	vshra.s32 v3, $0x1;
	v5 =	vmul.f32 $5.000000000e-01, v3;
	v13 =	vld [tilespmem:s2+$0x87D0];
	v3 =	vmin.f32 v9, $1.000000000e+00  }
0xd2: {  	v9 =	vmul.f32 v2, v10;
	v10 =	vsub.s32 $0x5F3759DF, v12;
	v12 =	vld [tilespmem:s2+$0x9450];
	v2 =	vadd.f32 $-5.000000000e-01, v3  }
0xd3: {  	v3 =	vmul.f32 v10, v5  }
0xd4: {  	v7 =	vmul.f32 v9, v7;
	v2 =	vmul.f32 $3.141592740e+00, v2  }
0xd5: {  	v14 =	vmul.f32 v10, v3  }
0xd6: {  	s31 =	simm.s32 $0x40;
	[tilespmem:s2+$0x11150] =	vst v11;
	v7 =	vmul.f32 v7, v9;
	v8 =	vsub.f32 v8, v13;
	v3 =	vmul.f32 v2, v2  }
0xd7: {  	v11 =	vmul.f32 v11, v11;
	v13 =	vld [tilespmem:s31+$0xA0D0];
	v14 =	vsub.f32 $1.500000000e+00, v14;
	v6 =	vsub.f32 v6, v12  }
0xd8: {  	v12 =	vld [tilespmem:s31+$0x7B50];
	v15 =	vsub.f32 $1.500000000e+00, v7;
	v16 =	vmul.f32 v8, v8;
	v17 =	vmul.f32 $2.755731880e-06, v3  }
0xd9: {  	[tilespmem:s2+$0x11DD0] =	vst v8;
	v7 =	vmul.f32 v10, v14;
	v10 =	vmul.f32 v6, v6  }
0xda: {  	[tilespmem:s2+$0x12A50] =	vst v6;
	v8 =	vmul.f32 v15, v9;
	v6 =	vadd.f32 v16, v11;
	v11 =	vadd.f32 $-1.984127010e-04, v17  }
0xdb: {  	v14 =	vmul.f32 v7, v5  }
0xdc: {  	v1 =	vmul.f32 v8, v1;
	v6 =	vadd.f32 v10, v6;
	v8 =	vmul.f32 v11, v3  }
0xdd: {  	v9 =	vld [tilespmem:s31+$0xB9D0];
	v10 =	vsub.f32 v13, v12;
	v12 =	vmul.f32 v14, v7  }
0xde: {  	v11 =	vld [tilespmem:s31+$0xAD50];
	[tilespmem:s24+$0x136D0] =	vst v1;
	v13 =	vmax.f32 v6, $1.000000000e-30;
	v18 =	vadd.f32 v1, v1;
	v8 =	vadd.f32 $8.333333770e-03, v8  }
0xdf: {  	v15 =	vld [tilespmem:s31+$0x87D0];
	v17 =	vshra.s32 v13, $0x1;
	v14 =	vsub.f32 $1.500000000e+00, v12  }
0xe0: {  	s12 =	simm.s32 $0x140;
	[tilespmem:s31+$0x11150] =	vst v10;
	v16 =	vld [tilespmem:s31+$0x9450];
	v13 =	vmul.f32 $5.000000000e-01, v13;
	v12 =	vmin.f32 v18, $1.000000000e+00;
	v8 =	vmul.f32 v8, v3  }
.LBB2_4:
0xe1: {  	p4 =	sne.s32 s12, $0x31C0;
	v17 =	vsub.s32 $0x5F3759DF, v17;
	v14 =	vmul.f32 v14, v7;
	v7 =	vadd.f32 $-5.000000000e-01, v12;
	s0 =	smov.u32 s1;
	s1 =	smov.u32 s2  }
0xe2: {  	v10 =	vmul.f32 v10, v10;
	s2 =	smov.u32 s31;
	v12 =	vmul.f32 v17, v13;
	v8 =	vadd.f32 $-1.666666720e-01, v8  }
0xe3: {  	v18 =	vmul.f32 v14, v5;
	v19 =	vmul.f32 $3.141592740e+00, v7;
	v5 =	vmov v13  }
0xe4: {  	s31 =	sshra.s32 s12, $0x2;
	v7 =	vsub.f32 v11, v15;
	v11 =	vmul.f32 v17, v12;
	v8 =	vmul.f32 v8, v3  }
0xe5: {  	v12 =	vld [tilespmem:s31+$0xA0D0];
	v9 =	vsub.f32 v9, v16;
	v13 =	vmul.f32 v18, v14;
	v3 =	vmul.f32 v19, v19  }
0xe6: {  	v15 =	vld [tilespmem:s31+$0x7B50];
	v16 =	vmul.f32 v7, v7;
	[tilespmem:s2+$0x11DD0] =	vst v7;
	v7 =	vsub.f32 $1.500000000e+00, v11;
	v8 =	vadd.f32 $1.000000000e+00, v8  }
0xe7: {  	v11 =	vmul.f32 v9, v9;
	[tilespmem:s2+$0x12A50] =	vst v9;
	v9 =	vsub.f32 $1.500000000e+00, v13;
	v13 =	vmul.f32 $2.755731880e-06, v3  }
0xe8: {  	v10 =	vadd.f32 v16, v10;
	v7 =	vmul.f32 v17, v7;
	v8 =	vmul.f32 v8, v2;
	v2 =	vmovc v19  }
0xe9: {  	v9 =	vmul.f32 v9, v14;
	v13 =	vadd.f32 $-1.984127010e-04, v13  }
0xea: {  	v11 =	vadd.f32 v11, v10;
	v14 =	vmul.f32 v7, v5;
	v8 =	vmul.f32 $5.000000000e-01, v8  }
.Ltmp5:
0xeb: {  	v10 =	vsub.f32 v12, v15;
	v12 =	vmul.f32 v9, v4;
	v13 =	vmul.f32 v13, v3;
	v4 =	vmovc v6;
	(pc) =	sbr.rel @p4 .LBB2_4-.Ltmp5, $4  }
0xec: {  	v9 =	vld [tilespmem:s31+$0xB9D0];
	v18 =	vmax.f32 v11, $1.000000000e-30;
	v14 =	vmul.f32 v14, v7;
	v8 =	vsub.f32 $5.000000000e-01, v8;
	v6 =	vmovc v11  }
0xed: {  	vm0 =	vlt.f32 v0, $5.000000000e-01;
	v0 =	vmovc v1;
	v11 =	vld [tilespmem:s31+$0xAD50];
	v19 =	vadd.f32 v12, v12;
	[tilespmem:s0+$0x136D0] =	vst v12;
	v20 =	vadd.f32 $8.333333770e-03, v13;
	v1 =	vmovc v12  }
0xee: {  	v17 =	vshra.s32 v18, $0x1;
	v15 =	vld [tilespmem:s31+$0x87D0];
	[tilespmem:s31+$0x11150] =	vst v10;
	v14 =	vsub.f32 $1.500000000e+00, v14;
	v21 =	vnsel vm0, $0x0, v8  }
0xef: {  	s12 =	sadd.s32 $0x40, s12;
	v13 =	vmul.f32 $5.000000000e-01, v18;
	v16 =	vld [tilespmem:s31+$0x9450];
	v12 =	vmin.f32 v19, $1.000000000e+00;
	v8 =	vmul.f32 v20, v3;
	[tilespmem:s23+$0x14350] =	vst v21;
	s23 =	smov.u32 s24;
	s24 =	smov.u32 s0  }
0xf0: {  	_ =	sdelay $0x2  }
0xf1: {  	v11 =	vsub.f32 v11, v15;
	_ =	sdelay $0x1  }
0xf2: {  	v10 =	vmul.f32 v10, v10;
	v9 =	vsub.f32 v9, v16;
	v15 =	vmul.f32 v11, v11;
	_ =	sdelay $0x1  }
0xf3: {  	v16 =	vmul.f32 v9, v9;
	v10 =	vadd.f32 v15, v10;
	_ =	sdelay $0x1  }
0xf4: {  	v10 =	vadd.f32 v16, v10;
	_ =	sdelay $0x1  }
0xf5: {  	v30 =	vmax.f32 v10, $1.000000000e-30  }
0xf6: {  	v31 =	vsub.s32 $0x5F3759DF, v17;
	v32 =	vshra.s32 v30, $0x1;
	v15 =	vmul.f32 $5.000000000e-01, v30  }
0xf7: {  	v18 =	vmul.f32 v31, v13;
	v17 =	vsub.s32 $0x5F3759DF, v32  }
0xf8: {  	v19 =	vmul.f32 v17, v15  }
0xf9: {  	v18 =	vmul.f32 v31, v18  }
0xfa: {  	v19 =	vmul.f32 v17, v19  }
0xfb: {  	v18 =	vsub.f32 $1.500000000e+00, v18  }
0xfc: {  	v19 =	vsub.f32 $1.500000000e+00, v19  }
0xfd: {  	v16 =	vmul.f32 v31, v18  }
0xfe: {  	v17 =	vmul.f32 v17, v19  }
0xff: {  	v18 =	vmul.f32 v16, v13  }
0x100: {  	v19 =	vmul.f32 v17, v15  }
0x101: {  	v18 =	vmul.f32 v18, v16  }
0x102: {  	v19 =	vmul.f32 v19, v17  }
0x103: {  	v18 =	vsub.f32 $1.500000000e+00, v18  }
0x104: {  	v7 =	vmul.f32 v14, v7;
	v33 =	vsub.f32 $1.500000000e+00, v19  }
0x105: {  	v16 =	vmul.f32 v18, v16  }
0x106: {  	v5 =	vmul.f32 v7, v5;
	v14 =	vmul.f32 v33, v17  }
0x107: {  	v34 =	vmul.f32 v16, v13  }
0x108: {  	v5 =	vmul.f32 v5, v7;
	v15 =	vmul.f32 v14, v15  }
0x109: {  	v13 =	vmul.f32 v34, v16  }
0x10a: {  	v5 =	vsub.f32 $1.500000000e+00, v5;
	v15 =	vmul.f32 v15, v14  }
0x10b: {  	v13 =	vsub.f32 $1.500000000e+00, v13  }
0x10c: {  	v5 =	vmul.f32 v5, v7;
	v35 =	vsub.f32 $1.500000000e+00, v15  }
0x10d: {  	v13 =	vmul.f32 v13, v16  }
0x10e: {  	v4 =	vmul.f32 v5, v4;
	v36 =	vmul.f32 v35, v14  }
0x10f: {  	v6 =	vmul.f32 v13, v6  }
0x110: {  	v37 =	vadd.f32 $-5.000000000e-01, v12;
	v38 =	vadd.f32 v4, v4;
	v5 =	vmul.f32 v36, v10  }
0x111: {  	v39 =	vadd.f32 v6, v6  }
0x112: {  	v7 =	vmul.f32 $3.141592740e+00, v37;
	v12 =	vmin.f32 v38, $1.000000000e+00;
	v40 =	vadd.f32 v5, v5  }
0x113: {  	v12 =	vadd.f32 $-5.000000000e-01, v12;
	v10 =	vmin.f32 v39, $1.000000000e+00  }
0x114: {  	v41 =	vmul.f32 v7, v7;
	v10 =	vadd.f32 $-5.000000000e-01, v10;
	v13 =	vmin.f32 v40, $1.000000000e+00  }
0x115: {  	v12 =	vmul.f32 $3.141592740e+00, v12;
	v13 =	vadd.f32 $-5.000000000e-01, v13  }
0x116: {  	v42 =	vmul.f32 $2.755731880e-06, v41;
	v10 =	vmul.f32 $3.141592740e+00, v10  }
0x117: {  	v43 =	vmul.f32 v12, v12;
	v13 =	vmul.f32 $3.141592740e+00, v13  }
0x118: {  	v44 =	vmul.f32 v10, v10  }
0x119: {  	v45 =	vmul.f32 $2.755731880e-06, v43;
	v15 =	vadd.f32 $-1.984127010e-04, v42;
	v46 =	vmul.f32 v13, v13  }
0x11a: {  	v20 =	vmul.f32 $2.755731880e-06, v44  }
0x11b: {  	v18 =	vadd.f32 $-1.984127010e-04, v45;
	v15 =	vmul.f32 v15, v41;
	v21 =	vmul.f32 $2.755731880e-06, v46  }
0x11c: {  	v20 =	vadd.f32 $-1.984127010e-04, v20  }
0x11d: {  	v18 =	vmul.f32 v18, v43;
	v15 =	vadd.f32 $8.333333770e-03, v15;
	v21 =	vadd.f32 $-1.984127010e-04, v21  }
0x11e: {  	v8 =	vadd.f32 $-1.666666720e-01, v8;
	v20 =	vmul.f32 v20, v44  }
0x11f: {  	v18 =	vadd.f32 $8.333333770e-03, v18;
	v15 =	vmul.f32 v15, v41;
	v21 =	vmul.f32 v21, v46  }
0x120: {  	v3 =	vmul.f32 v8, v3;
	v47 =	vadd.f32 $8.333333770e-03, v20  }
0x121: {  	v18 =	vmul.f32 v18, v43;
	v15 =	vadd.f32 $-1.666666720e-01, v15;
	v48 =	vadd.f32 $8.333333770e-03, v21  }
0x122: {  	v3 =	vadd.f32 $1.000000000e+00, v3;
	v8 =	vmul.f32 v47, v44  }
0x123: {  	v49 =	vadd.f32 $-1.666666720e-01, v18;
	v14 =	vmul.f32 v15, v41;
	v50 =	vmul.f32 v48, v46  }
0x124: {  	v2 =	vmul.f32 v3, v2;
	v51 =	vadd.f32 $-1.666666720e-01, v8  }
0x125: {  	v52 =	vmul.f32 v49, v43;
	v14 =	vadd.f32 $1.000000000e+00, v14;
	v53 =	vadd.f32 $-1.666666720e-01, v50  }
0x126: {  	v2 =	vmul.f32 $5.000000000e-01, v2;
	v3 =	vmul.f32 v51, v44  }
0x127: {  	v7 =	vmul.f32 v14, v7;
	v8 =	vadd.f32 $1.000000000e+00, v52;
	v54 =	vmul.f32 v53, v46  }
0x128: {  	vm0 =	vlt.f32 v0, $5.000000000e-01;
	v2 =	vsub.f32 $5.000000000e-01, v2;
	v55 =	vadd.f32 $1.000000000e+00, v3  }
0x129: {  	[tilespmem:s31+$0x11DD0] =	vst v11;
	v56 =	vmul.f32 $5.000000000e-01, v7;
	v57 =	vmul.f32 v8, v12;
	v58 =	vadd.f32 $1.000000000e+00, v54  }
0x12a: {  	[tilespmem:s31+$0x12A50] =	vst v9;
	v2 =	vnsel vm0, $0x0, v2;
	v0 =	vmul.f32 v55, v10  }
0x12b: {  	[tilespmem:s1+$0x136D0] =	vst v4;
	v3 =	vsub.f32 $5.000000000e-01, v56;
	v7 =	vmul.f32 $5.000000000e-01, v57;
	v8 =	vmul.f32 v58, v13  }
0x12c: {  	vm12 =	vlt.f32 v1, $5.000000000e-01;
	[tilespmem:s23+$0x14350] =	vst v2;
	v0 =	vmul.f32 $5.000000000e-01, v0  }
0x12d: {  	s0 =	sshll.u32 s26, $0x6;
	[tilespmem:s2+$0x136D0] =	vst v6;
	v1 =	vnsel vm12, $0x0, v3;
	v59 =	vsub.f32 $5.000000000e-01, v7;
	v60 =	vmul.f32 $5.000000000e-01, v8  }
0x12e: {  	s0 =	sor.u32 s15, s0;
	vm13 =	vlt.f32 v4, $5.000000000e-01;
	[tilespmem:s24+$0x14350] =	vst v1;
	v0 =	vsub.f32 $5.000000000e-01, v0  }
0x12f: {  	s0 =	smul.u32 $0xC80, s0;
	vm14 =	vlt.f32 v6, $5.000000000e-01;
	[tilespmem:s31+$0x136D0] =	vst v5;
	v61 =	vnsel vm13, $0x0, v59;
	v62 =	vsub.f32 $5.000000000e-01, v60  }
0x130: {  	vm15 =	vlt.f32 v5, $5.000000000e-01;
	[tilespmem:s1+$0x14350] =	vst v61;
	v0 =	vnsel vm14, $0x0, v0  }
0x131: {  	s0 =	sshrl.u32 s0, $0x3;
	[tilespmem:s2+$0x14350] =	vst v0;
	v63 =	vnsel vm15, $0x0, v62  }
0x132: {  	s12 =	sadd.s32 s5, s0;
	s23 =	simm.s32 $0x11150;
	[tilespmem:s31+$0x14350] =	vst v63  }
0x133: {  	[hbm4b:s12+s14] =	stream.linear.scatter [tilespmem:s23], [sflag:$0x5], $0xC80, $0x38;
	[tilespmem:$0x18E50] =	vst v63  }
0x134: {  	s24 =	sadd.s32 s6, s0;
	s31 =	simm.s32 $0x11DD0  }
0x135: {  	[hbm4b:s24+s14] =	stream.linear.scatter [tilespmem:s31], [sflag:$0x5], $0xC80, $0x38;
	[tilespmem:$0x18E50] =	vst v63  }
0x136: {  	s2 =	sadd.s32 s7, s0;
	s12 =	simm.s32 $0x12A50  }
0x137: {  	[hbm4b:s2+s14] =	stream.linear.scatter [tilespmem:s12], [sflag:$0x5], $0xC80, $0x38;
	[tilespmem:$0x18E50] =	vst v63  }
0x138: {  	s23 =	sadd.s32 s8, s0;
	s24 =	simm.s32 $0x136D0  }
0x139: {  	[hbm4b:s23+s14] =	stream.linear.scatter [tilespmem:s24], [sflag:$0x5], $0xC80, $0x38;
	[tilespmem:$0x18E50] =	vst v63  }
0x13a: {  	s0 =	sadd.s32 s9, s0;
	s31 =	simm.s32 $0x14350  }
0x13b: {  	[hbm4b:s0+s14] =	stream.linear.scatter [tilespmem:s31], [sflag:$0x5], $0xC80, $0x38;
	[tilespmem:$0x18E50] =	vst v63  }
.LBB2_6:
0x13c: {  	s0 =	simm.s32 @!p3 $0x1  }
0x13d: {  	_ =	swait.ge @!p3 [sflag:s0], $0xC80  }
0x13e: {  	[sflag:s0] =	ssyncset.done @!p3 $0x0  }
0x13f: {  	[sflag:s0] =	ssyncadd.s32 @!p3 $0xFFFFF380  }
0x140: {  	_ =	swait.ge @!p3 [sflag:s0], $0xC80  }
0x141: {  	[sflag:s0] =	ssyncset.done @!p3 $0x0  }
0x142: {  	s1 =	simm.s32 @!p3 $0x7B50;
	[sflag:s0] =	ssyncadd.s32 @!p3 $0xFFFFF380;
	s0 =	simm.s32 @!p3 $0xC80  }
0x143: {  	[tilespmem:s1], [sflag:$0x3] =	stream.indirect.gather @!p3 [spmem:s10], $0x1, s25, s0, $0xb8;
	[tilespmem:$0x18E50] =	vst v63  }
0x144: {  	s1 =	simm.s32 @!p3 $0x87D0  }
0x145: {  	[tilespmem:s1], [sflag:$0x3] =	stream.indirect.gather @!p3 [spmem:s11], $0x1, s25, s0, $0xb8;
	[tilespmem:$0x18E50] =	vst v63  }
0x146: {  	s1 =	simm.s32 @!p3 $0x9450  }
0x147: {  	[tilespmem:s1], [sflag:$0x3] =	stream.indirect.gather @!p3 [spmem:s13], $0x1, s25, s0, $0xb8;
	[tilespmem:$0x18E50] =	vst v63  }
0x148: {  	s1 =	simm.s32 @!p3 $0xA0D0  }
0x149: {  	[tilespmem:s1], [sflag:$0x3] =	stream.indirect.gather @!p3 [spmem:s10], $0x1, s30, s0, $0xb8;
	[tilespmem:$0x18E50] =	vst v63  }
0x14a: {  	s1 =	simm.s32 @!p3 $0xAD50  }
0x14b: {  	[tilespmem:s1], [sflag:$0x3] =	stream.indirect.gather @!p3 [spmem:s11], $0x1, s30, s0, $0xb8;
	[tilespmem:$0x18E50] =	vst v63  }
0x14c: {  	s1 =	simm.s32 @!p3 $0xB9D0  }
0x14d: {  	[tilespmem:s1], [sflag:$0x3] =	stream.indirect.gather @!p3 [spmem:s13], $0x1, s30, s0, $0xb8;
	[tilespmem:$0x18E50] =	vst v63  }
0x14e: {  	s0 =	simm.s32 @!p1 $0x4  }
0x14f: {  	_ =	swait.ge @!p1 [sflag:s0], $0xC80  }
0x150: {  	[sflag:s0] =	ssyncset.done @!p1 $0x0  }
0x151: {  	[sflag:s0] =	ssyncadd.s32 @!p1 $0xFFFFF380  }
0x152: {  	_ =	swait.ge @!p1 [sflag:s0], $0xC80  }
0x153: {  	[sflag:s0] =	ssyncset.done @!p1 $0x0  }
0x154: {  	[sflag:s0] =	ssyncadd.s32 @!p1 $0xFFFFF380  }
0x155: {  	_ =	swait.ge @!p1 [sflag:s0], $0xC80  }
0x156: {  	[sflag:s0] =	ssyncset.done @!p1 $0x0  }
0x157: {  	[sflag:s0] =	ssyncadd.s32 @!p1 $0xFFFFF380  }
0x158: {  	_ =	swait.ge @!p1 [sflag:s0], $0xC80  }
0x159: {  	[sflag:s0] =	ssyncset.done @!p1 $0x0  }
0x15a: {  	s1 =	sadd.s32 $0x3, s29;
	[sflag:s0] =	ssyncadd.s32 @!p1 $0xFFFFF380  }
0x15b: {  	p3 =	sge.u32 s1, s16;
	_ =	swait.ge @!p1 [sflag:s0], $0xC80  }
0x15c: {  	s1 =	sshll.u32 @!p3 s1, $0x5;
	[sflag:s0] =	ssyncset.done @!p1 $0x0  }
0x15d: {  	s1 =	sor.u32 @!p3 s15, s1;
	[sflag:s0] =	ssyncadd.s32 @!p1 $0xFFFFF380  }
0x15e: {  	s1 =	smul.u32 @!p3 $0x190, s1;
	_ =	swait.ge @!p1 [sflag:s0], $0xC80  }
.Ltmp6:
0x15f: {  	s2 =	simm.s32 @!p3 $0x0;
	[sflag:s0] =	ssyncset.done @!p1 $0x0;
	(pc) =	sbr.rel @p1 .LBB2_10-.Ltmp6, $4  }
0x160: {  	s12 =	simm.s32 @!p3 $0x6250;
	[sflag:s0] =	ssyncadd.s32 @!p1 $0xFFFFF380;
	s0 =	sadd.s32 @!p3 s3, s1  }
0x161: {  	[tilespmem:s12], [sflag:$0x2] =	stream.linear.gather @!p3 [hbm4b:s0+s2], $0xC80, $0x38;
	[tilespmem:$0x18E50] =	vst v63  }
0x162: {  	s0 =	sadd.s32 @!p3 s4, s1;
	s1 =	simm.s32 @!p3 $0x6ED0  }
0x163: {  	[tilespmem:s1], [sflag:$0x2] =	stream.linear.gather @!p3 [hbm4b:s0+s2], $0xC80, $0x38;
	[tilespmem:$0x18E50] =	vst v63  }
0x164: {  	s0 =	simm.s32 @!p2 $0x6  }
0x165: {  	_ =	swait.ge @!p2 [sflag:s0], $0xC80  }
0x166: {  	[sflag:s0] =	ssyncset.done @!p2 $0x0  }
0x167: {  	[sflag:s0] =	ssyncadd.s32 @!p2 $0xFFFFF380  }
0x168: {  	_ =	swait.ge @!p2 [sflag:s0], $0xC80  }
0x169: {  	[sflag:s0] =	ssyncset.done @!p2 $0x0  }
0x16a: {  	[sflag:s0] =	ssyncadd.s32 @!p2 $0xFFFFF380  }
0x16b: {  	_ =	swait.ge @!p2 [sflag:s0], $0xC80  }
0x16c: {  	[sflag:s0] =	ssyncset.done @!p2 $0x0  }
0x16d: {  	[sflag:s0] =	ssyncadd.s32 @!p2 $0xFFFFF380  }
0x16e: {  	_ =	swait.ge @!p2 [sflag:s0], $0xC80  }
0x16f: {  	[sflag:s0] =	ssyncset.done @!p2 $0x0  }
0x170: {  	[sflag:s0] =	ssyncadd.s32 @!p2 $0xFFFFF380  }
0x171: {  	_ =	swait.ge @!p2 [sflag:s0], $0xC80  }
0x172: {  	[sflag:s0] =	ssyncset.done @!p2 $0x0  }
0x173: {  	s23 =	simm.s32 $0x0;
	[sflag:s0] =	ssyncadd.s32 @!p2 $0xFFFFF380  }
0x174: {  	v0 =	vld [tilespmem:s23+$0xEBD0]  }
0x175: {  	v1 =	vld [tilespmem:s23+$0xC650];
	_ =	sdelay $0x3  }
0x176: {  	v3 =	vld [tilespmem:s23+$0xD2D0]  }
0x177: {  	v0 =	vsub.f32 v0, v1;
	v1 =	vld [tilespmem:s23+$0xF850]  }
0x178: {  	v2 =	vld [tilespmem:s23+$0x104D0]  }
0x179: {  	v4 =	vld [tilespmem:s23+$0xDF50];
	_ =	sdelay $0x2  }
0x17a: {  	v1 =	vsub.f32 v1, v3  }
0x17b: {  	s24 =	simm.s32 $0x10;
	[tilespmem:s23+$0x14FD0] =	vst v0  }
0x17c: {  	v2 =	vsub.f32 v2, v4;
	v0 =	vmul.f32 v0, v0;
	v5 =	vld [tilespmem:s24+$0xC650];
	v4 =	vmul.f32 v1, v1  }
0x17d: {  	v3 =	vld [tilespmem:s24+$0xEBD0]  }
0x17e: {  	v6 =	vmul.f32 v2, v2;
	v0 =	vadd.f32 v4, v0;
	_ =	sdelay $0x1  }
0x17f: {  	v0 =	vadd.f32 v6, v0  }
0x180: {  	[tilespmem:s23+$0x168D0] =	vst v2  }
0x181: {  	[tilespmem:s23+$0x15C50] =	vst v1;
	v2 =	vsub.f32 v3, v5;
	v3 =	vmax.f32 v0, $1.000000000e-30  }
0x182: {  	v4 =	vld [tilespmem:s24+$0xF850];
	v6 =	vshra.s32 v3, $0x1;
	v3 =	vmul.f32 $5.000000000e-01, v3  }
0x183: {  	v5 =	vld [tilespmem:s24+$0xD2D0];
	v6 =	vsub.s32 $0x5F3759DF, v6  }
0x184: {  	v1 =	vld [tilespmem:s24+$0x104D0];
	v8 =	vmul.f32 v6, v3  }
0x185: {  	v7 =	vld [tilespmem:s24+$0xDF50]  }
0x186: {  	v8 =	vmul.f32 v6, v8;
	_ =	sdelay $0x1  }
0x187: {  	v4 =	vsub.f32 v4, v5;
	v5 =	vsub.f32 $1.500000000e+00, v8  }
0x188: {  	[tilespmem:s24+$0x14FD0] =	vst v2;
	v2 =	vmul.f32 v2, v2  }
0x189: {  	s1 =	simm.s32 $0x20;
	v1 =	vsub.f32 v1, v7;
	v7 =	vmul.f32 v4, v4;
	v5 =	vmul.f32 v6, v5  }
0x18a: {  	v9 =	vld [tilespmem:s1+$0xC650]  }
0x18b: {  	v2 =	vadd.f32 v7, v2;
	v8 =	vld [tilespmem:s1+$0xEBD0];
	[tilespmem:s24+$0x15C50] =	vst v4;
	v6 =	vmul.f32 v1, v1;
	v4 =	vmul.f32 v5, v3;
	_ =	sdelay $0x1  }
0x18c: {  	[tilespmem:s24+$0x168D0] =	vst v1;
	v1 =	vadd.f32 v6, v2;
	v4 =	vmul.f32 v4, v5;
	_ =	sdelay $0x1  }
0x18d: {  	v7 =	vmax.f32 v1, $1.000000000e-30;
	v4 =	vsub.f32 $1.500000000e+00, v4  }
0x18e: {  	v6 =	vsub.f32 v8, v9;
	v8 =	vld [tilespmem:s1+$0xF850];
	v10 =	vshra.s32 v7, $0x1;
	v7 =	vmul.f32 $5.000000000e-01, v7  }
0x18f: {  	v9 =	vld [tilespmem:s1+$0xD2D0];
	v10 =	vsub.s32 $0x5F3759DF, v10;
	v4 =	vmul.f32 v4, v5  }
0x190: {  	v11 =	vld [tilespmem:s1+$0xDF50];
	v5 =	vmul.f32 v10, v7  }
0x191: {  	v2 =	vld [tilespmem:s1+$0x104D0];
	v3 =	vmul.f32 v4, v3  }
0x192: {  	v5 =	vmul.f32 v10, v5  }
0x193: {  	v3 =	vmul.f32 v3, v4  }
0x194: {  	v8 =	vsub.f32 v8, v9;
	v5 =	vsub.f32 $1.500000000e+00, v5  }
0x195: {  	s2 =	simm.s32 $0x30;
	[tilespmem:s1+$0x14FD0] =	vst v6;
	v6 =	vmul.f32 v6, v6;
	v3 =	vsub.f32 $1.500000000e+00, v3  }
0x196: {  	v12 =	vld [tilespmem:s2+$0xC650];
	v2 =	vsub.f32 v2, v11;
	v9 =	vmul.f32 v8, v8;
	v10 =	vmul.f32 v10, v5  }
0x197: {  	v5 =	vld [tilespmem:s2+$0xEBD0];
	v3 =	vmul.f32 v3, v4  }
0x198: {  	v11 =	vmul.f32 v2, v2;
	v6 =	vadd.f32 v9, v6;
	v9 =	vmul.f32 v10, v7  }
0x199: {  	[tilespmem:s1+$0x15C50] =	vst v8;
	v0 =	vmul.f32 v3, v0  }
0x19a: {  	[tilespmem:s1+$0x168D0] =	vst v2;
	v4 =	vadd.f32 v11, v6;
	v2 =	vmul.f32 v9, v10  }
0x19b: {  	v8 =	vld [tilespmem:s2+$0xF850];
	v9 =	vadd.f32 v0, v0  }
0x19c: {  	v6 =	vld [tilespmem:s2+$0x104D0];
	v3 =	vmax.f32 v4, $1.000000000e-30;
	v11 =	vsub.f32 v5, v12;
	v2 =	vsub.f32 $1.500000000e+00, v2;
	[tilespmem:s23+$0x17550] =	vst v0  }
0x19d: {  	v12 =	vshra.s32 v3, $0x1;
	v5 =	vmul.f32 $5.000000000e-01, v3;
	v13 =	vld [tilespmem:s2+$0xD2D0];
	v3 =	vmin.f32 v9, $1.000000000e+00  }
0x19e: {  	v9 =	vmul.f32 v2, v10;
	v10 =	vsub.s32 $0x5F3759DF, v12;
	v12 =	vld [tilespmem:s2+$0xDF50];
	v2 =	vadd.f32 $-5.000000000e-01, v3  }
0x19f: {  	v3 =	vmul.f32 v10, v5  }
0x1a0: {  	v7 =	vmul.f32 v9, v7;
	v2 =	vmul.f32 $3.141592740e+00, v2  }
0x1a1: {  	v14 =	vmul.f32 v10, v3  }
0x1a2: {  	s25 =	simm.s32 $0x40;
	[tilespmem:s2+$0x14FD0] =	vst v11;
	v7 =	vmul.f32 v7, v9;
	v8 =	vsub.f32 v8, v13;
	v3 =	vmul.f32 v2, v2  }
0x1a3: {  	v11 =	vmul.f32 v11, v11;
	v13 =	vld [tilespmem:s25+$0xEBD0];
	v14 =	vsub.f32 $1.500000000e+00, v14;
	v6 =	vsub.f32 v6, v12  }
0x1a4: {  	v12 =	vld [tilespmem:s25+$0xC650];
	v15 =	vsub.f32 $1.500000000e+00, v7;
	v16 =	vmul.f32 v8, v8;
	v17 =	vmul.f32 $2.755731880e-06, v3  }
0x1a5: {  	[tilespmem:s2+$0x15C50] =	vst v8;
	v7 =	vmul.f32 v10, v14;
	v10 =	vmul.f32 v6, v6  }
0x1a6: {  	[tilespmem:s2+$0x168D0] =	vst v6;
	v8 =	vmul.f32 v15, v9;
	v6 =	vadd.f32 v16, v11;
	v11 =	vadd.f32 $-1.984127010e-04, v17  }
0x1a7: {  	v14 =	vmul.f32 v7, v5  }
0x1a8: {  	v1 =	vmul.f32 v8, v1;
	v6 =	vadd.f32 v10, v6;
	v8 =	vmul.f32 v11, v3  }
0x1a9: {  	v9 =	vld [tilespmem:s25+$0x104D0];
	v10 =	vsub.f32 v13, v12;
	v12 =	vmul.f32 v14, v7  }
0x1aa: {  	v11 =	vld [tilespmem:s25+$0xF850];
	[tilespmem:s24+$0x17550] =	vst v1;
	v13 =	vmax.f32 v6, $1.000000000e-30;
	v18 =	vadd.f32 v1, v1;
	v8 =	vadd.f32 $8.333333770e-03, v8  }
0x1ab: {  	v15 =	vld [tilespmem:s25+$0xD2D0];
	v17 =	vshra.s32 v13, $0x1;
	v14 =	vsub.f32 $1.500000000e+00, v12  }
0x1ac: {  	s12 =	simm.s32 $0x140;
	[tilespmem:s25+$0x14FD0] =	vst v10;
	v16 =	vld [tilespmem:s25+$0xDF50];
	v13 =	vmul.f32 $5.000000000e-01, v13;
	v12 =	vmin.f32 v18, $1.000000000e+00;
	v8 =	vmul.f32 v8, v3  }
.LBB2_8:
0x1ad: {  	p1 =	sne.s32 s12, $0x31C0;
	v17 =	vsub.s32 $0x5F3759DF, v17;
	v14 =	vmul.f32 v14, v7;
	v7 =	vadd.f32 $-5.000000000e-01, v12;
	s0 =	smov.u32 s1;
	s1 =	smov.u32 s2  }
0x1ae: {  	v10 =	vmul.f32 v10, v10;
	s2 =	smov.u32 s25;
	v12 =	vmul.f32 v17, v13;
	v8 =	vadd.f32 $-1.666666720e-01, v8  }
0x1af: {  	v18 =	vmul.f32 v14, v5;
	v19 =	vmul.f32 $3.141592740e+00, v7;
	v5 =	vmov v13  }
0x1b0: {  	s25 =	sshra.s32 s12, $0x2;
	v7 =	vsub.f32 v11, v15;
	v11 =	vmul.f32 v17, v12;
	v8 =	vmul.f32 v8, v3  }
0x1b1: {  	v12 =	vld [tilespmem:s25+$0xEBD0];
	v9 =	vsub.f32 v9, v16;
	v13 =	vmul.f32 v18, v14;
	v3 =	vmul.f32 v19, v19  }
0x1b2: {  	v15 =	vld [tilespmem:s25+$0xC650];
	v16 =	vmul.f32 v7, v7;
	[tilespmem:s2+$0x15C50] =	vst v7;
	v7 =	vsub.f32 $1.500000000e+00, v11;
	v8 =	vadd.f32 $1.000000000e+00, v8  }
0x1b3: {  	v11 =	vmul.f32 v9, v9;
	[tilespmem:s2+$0x168D0] =	vst v9;
	v9 =	vsub.f32 $1.500000000e+00, v13;
	v13 =	vmul.f32 $2.755731880e-06, v3  }
0x1b4: {  	v10 =	vadd.f32 v16, v10;
	v7 =	vmul.f32 v17, v7;
	v8 =	vmul.f32 v8, v2;
	v2 =	vmovc v19  }
0x1b5: {  	v9 =	vmul.f32 v9, v14;
	v13 =	vadd.f32 $-1.984127010e-04, v13  }
0x1b6: {  	v11 =	vadd.f32 v11, v10;
	v14 =	vmul.f32 v7, v5;
	v8 =	vmul.f32 $5.000000000e-01, v8  }
.Ltmp7:
0x1b7: {  	v10 =	vsub.f32 v12, v15;
	v12 =	vmul.f32 v9, v4;
	v13 =	vmul.f32 v13, v3;
	v4 =	vmovc v6;
	(pc) =	sbr.rel @p1 .LBB2_8-.Ltmp7, $4  }
0x1b8: {  	v9 =	vld [tilespmem:s25+$0x104D0];
	v18 =	vmax.f32 v11, $1.000000000e-30;
	v14 =	vmul.f32 v14, v7;
	v8 =	vsub.f32 $5.000000000e-01, v8;
	v6 =	vmovc v11  }
0x1b9: {  	vm0 =	vlt.f32 v0, $5.000000000e-01;
	v0 =	vmovc v1;
	v11 =	vld [tilespmem:s25+$0xF850];
	v19 =	vadd.f32 v12, v12;
	[tilespmem:s0+$0x17550] =	vst v12;
	v20 =	vadd.f32 $8.333333770e-03, v13;
	v1 =	vmovc v12  }
0x1ba: {  	v17 =	vshra.s32 v18, $0x1;
	v15 =	vld [tilespmem:s25+$0xD2D0];
	[tilespmem:s25+$0x14FD0] =	vst v10;
	v14 =	vsub.f32 $1.500000000e+00, v14;
	v21 =	vnsel vm0, $0x0, v8  }
0x1bb: {  	s12 =	sadd.s32 $0x40, s12;
	v13 =	vmul.f32 $5.000000000e-01, v18;
	v16 =	vld [tilespmem:s25+$0xDF50];
	v12 =	vmin.f32 v19, $1.000000000e+00;
	v8 =	vmul.f32 v20, v3;
	[tilespmem:s23+$0x181D0] =	vst v21;
	s23 =	smov.u32 s24;
	s24 =	smov.u32 s0  }
0x1bc: {  	_ =	sdelay $0x2  }
0x1bd: {  	v11 =	vsub.f32 v11, v15;
	_ =	sdelay $0x1  }
0x1be: {  	v10 =	vmul.f32 v10, v10;
	v9 =	vsub.f32 v9, v16;
	v15 =	vmul.f32 v11, v11;
	_ =	sdelay $0x1  }
0x1bf: {  	v16 =	vmul.f32 v9, v9;
	v10 =	vadd.f32 v15, v10;
	_ =	sdelay $0x1  }
0x1c0: {  	v10 =	vadd.f32 v16, v10;
	_ =	sdelay $0x1  }
0x1c1: {  	v30 =	vmax.f32 v10, $1.000000000e-30  }
0x1c2: {  	v31 =	vsub.s32 $0x5F3759DF, v17;
	v32 =	vshra.s32 v30, $0x1;
	v15 =	vmul.f32 $5.000000000e-01, v30  }
0x1c3: {  	v18 =	vmul.f32 v31, v13;
	v17 =	vsub.s32 $0x5F3759DF, v32  }
0x1c4: {  	v19 =	vmul.f32 v17, v15  }
0x1c5: {  	v18 =	vmul.f32 v31, v18  }
0x1c6: {  	v19 =	vmul.f32 v17, v19  }
0x1c7: {  	v18 =	vsub.f32 $1.500000000e+00, v18  }
0x1c8: {  	v19 =	vsub.f32 $1.500000000e+00, v19  }
0x1c9: {  	v16 =	vmul.f32 v31, v18  }
0x1ca: {  	v17 =	vmul.f32 v17, v19  }
0x1cb: {  	v18 =	vmul.f32 v16, v13  }
0x1cc: {  	v19 =	vmul.f32 v17, v15  }
0x1cd: {  	v18 =	vmul.f32 v18, v16  }
0x1ce: {  	v19 =	vmul.f32 v19, v17  }
0x1cf: {  	v18 =	vsub.f32 $1.500000000e+00, v18  }
0x1d0: {  	v7 =	vmul.f32 v14, v7;
	v33 =	vsub.f32 $1.500000000e+00, v19  }
0x1d1: {  	v16 =	vmul.f32 v18, v16  }
0x1d2: {  	v5 =	vmul.f32 v7, v5;
	v14 =	vmul.f32 v33, v17  }
0x1d3: {  	v34 =	vmul.f32 v16, v13  }
0x1d4: {  	v5 =	vmul.f32 v5, v7;
	v15 =	vmul.f32 v14, v15  }
0x1d5: {  	v13 =	vmul.f32 v34, v16  }
0x1d6: {  	v5 =	vsub.f32 $1.500000000e+00, v5;
	v15 =	vmul.f32 v15, v14  }
0x1d7: {  	v13 =	vsub.f32 $1.500000000e+00, v13  }
0x1d8: {  	v5 =	vmul.f32 v5, v7;
	v35 =	vsub.f32 $1.500000000e+00, v15  }
0x1d9: {  	v13 =	vmul.f32 v13, v16  }
0x1da: {  	v4 =	vmul.f32 v5, v4;
	v36 =	vmul.f32 v35, v14  }
0x1db: {  	v6 =	vmul.f32 v13, v6  }
0x1dc: {  	v37 =	vadd.f32 $-5.000000000e-01, v12;
	v38 =	vadd.f32 v4, v4;
	v5 =	vmul.f32 v36, v10  }
0x1dd: {  	v39 =	vadd.f32 v6, v6  }
0x1de: {  	v7 =	vmul.f32 $3.141592740e+00, v37;
	v12 =	vmin.f32 v38, $1.000000000e+00;
	v40 =	vadd.f32 v5, v5  }
0x1df: {  	v12 =	vadd.f32 $-5.000000000e-01, v12;
	v10 =	vmin.f32 v39, $1.000000000e+00  }
0x1e0: {  	v41 =	vmul.f32 v7, v7;
	v10 =	vadd.f32 $-5.000000000e-01, v10;
	v13 =	vmin.f32 v40, $1.000000000e+00  }
0x1e1: {  	v12 =	vmul.f32 $3.141592740e+00, v12;
	v13 =	vadd.f32 $-5.000000000e-01, v13  }
0x1e2: {  	v42 =	vmul.f32 $2.755731880e-06, v41;
	v10 =	vmul.f32 $3.141592740e+00, v10  }
0x1e3: {  	v43 =	vmul.f32 v12, v12;
	v13 =	vmul.f32 $3.141592740e+00, v13  }
0x1e4: {  	v44 =	vmul.f32 v10, v10  }
0x1e5: {  	v45 =	vmul.f32 $2.755731880e-06, v43;
	v15 =	vadd.f32 $-1.984127010e-04, v42;
	v46 =	vmul.f32 v13, v13  }
0x1e6: {  	v20 =	vmul.f32 $2.755731880e-06, v44  }
0x1e7: {  	v18 =	vadd.f32 $-1.984127010e-04, v45;
	v15 =	vmul.f32 v15, v41;
	v21 =	vmul.f32 $2.755731880e-06, v46  }
0x1e8: {  	v20 =	vadd.f32 $-1.984127010e-04, v20  }
0x1e9: {  	v18 =	vmul.f32 v18, v43;
	v15 =	vadd.f32 $8.333333770e-03, v15;
	v21 =	vadd.f32 $-1.984127010e-04, v21  }
0x1ea: {  	v8 =	vadd.f32 $-1.666666720e-01, v8;
	v20 =	vmul.f32 v20, v44  }
0x1eb: {  	v18 =	vadd.f32 $8.333333770e-03, v18;
	v15 =	vmul.f32 v15, v41;
	v21 =	vmul.f32 v21, v46  }
0x1ec: {  	v3 =	vmul.f32 v8, v3;
	v47 =	vadd.f32 $8.333333770e-03, v20  }
0x1ed: {  	v18 =	vmul.f32 v18, v43;
	v15 =	vadd.f32 $-1.666666720e-01, v15;
	v48 =	vadd.f32 $8.333333770e-03, v21  }
0x1ee: {  	v3 =	vadd.f32 $1.000000000e+00, v3;
	v8 =	vmul.f32 v47, v44  }
0x1ef: {  	v49 =	vadd.f32 $-1.666666720e-01, v18;
	v14 =	vmul.f32 v15, v41;
	v50 =	vmul.f32 v48, v46  }
0x1f0: {  	v2 =	vmul.f32 v3, v2;
	v51 =	vadd.f32 $-1.666666720e-01, v8  }
0x1f1: {  	v52 =	vmul.f32 v49, v43;
	v14 =	vadd.f32 $1.000000000e+00, v14;
	v53 =	vadd.f32 $-1.666666720e-01, v50  }
0x1f2: {  	v2 =	vmul.f32 $5.000000000e-01, v2;
	v3 =	vmul.f32 v51, v44  }
0x1f3: {  	v7 =	vmul.f32 v14, v7;
	v8 =	vadd.f32 $1.000000000e+00, v52;
	v54 =	vmul.f32 v53, v46  }
0x1f4: {  	vm0 =	vlt.f32 v0, $5.000000000e-01;
	v2 =	vsub.f32 $5.000000000e-01, v2;
	v55 =	vadd.f32 $1.000000000e+00, v3  }
0x1f5: {  	[tilespmem:s25+$0x15C50] =	vst v11;
	v56 =	vmul.f32 $5.000000000e-01, v7;
	v57 =	vmul.f32 v8, v12;
	v58 =	vadd.f32 $1.000000000e+00, v54  }
0x1f6: {  	[tilespmem:s25+$0x168D0] =	vst v9;
	v2 =	vnsel vm0, $0x0, v2;
	v0 =	vmul.f32 v55, v10  }
0x1f7: {  	[tilespmem:s1+$0x17550] =	vst v4;
	v3 =	vsub.f32 $5.000000000e-01, v56;
	v7 =	vmul.f32 $5.000000000e-01, v57;
	v8 =	vmul.f32 v58, v13  }
0x1f8: {  	vm12 =	vlt.f32 v1, $5.000000000e-01;
	[tilespmem:s23+$0x181D0] =	vst v2;
	v0 =	vmul.f32 $5.000000000e-01, v0  }
0x1f9: {  	[tilespmem:s2+$0x17550] =	vst v6;
	v1 =	vnsel vm12, $0x0, v3;
	v59 =	vsub.f32 $5.000000000e-01, v7;
	v60 =	vmul.f32 $5.000000000e-01, v8  }
0x1fa: {  	s0 =	sshll.u32 s28, $0x5;
	vm13 =	vlt.f32 v4, $5.000000000e-01;
	[tilespmem:s24+$0x181D0] =	vst v1;
	v0 =	vsub.f32 $5.000000000e-01, v0  }
0x1fb: {  	s0 =	sor.u32 s15, s0;
	vm14 =	vlt.f32 v6, $5.000000000e-01;
	[tilespmem:s25+$0x17550] =	vst v5;
	v61 =	vnsel vm13, $0x0, v59;
	v62 =	vsub.f32 $5.000000000e-01, v60  }
0x1fc: {  	s0 =	smul.u32 $0x190, s0;
	vm15 =	vlt.f32 v5, $5.000000000e-01;
	[tilespmem:s1+$0x181D0] =	vst v61;
	v0 =	vnsel vm14, $0x0, v0  }
0x1fd: {  	[tilespmem:s2+$0x181D0] =	vst v0;
	v63 =	vnsel vm15, $0x0, v62  }
0x1fe: {  	s28 =	sadd.s32 s5, s0;
	[tilespmem:s25+$0x181D0] =	vst v63  }
0x1ff: {  	[hbm4b:s28+s14] =	stream.linear.scatter [tilespmem:s17], [sflag:$0x6], $0xC80, $0x38;
	[tilespmem:$0x18E50] =	vst v63  }
0x200: {  	s29 =	sadd.s32 s6, s0  }
0x201: {  	[hbm4b:s29+s14] =	stream.linear.scatter [tilespmem:s18], [sflag:$0x6], $0xC80, $0x38;
	[tilespmem:$0x18E50] =	vst v63  }
0x202: {  	s30 =	sadd.s32 s7, s0  }
0x203: {  	[hbm4b:s30+s14] =	stream.linear.scatter [tilespmem:s20], [sflag:$0x6], $0xC80, $0x38;
	[tilespmem:$0x18E50] =	vst v63  }
.Ltmp8:
0x204: {  	_ = 	snop;
	(pc) =	sbr.rel .LBB2_10-.Ltmp8, $4  }
0x205: {  	s31 =	sadd.s32 s8, s0  }
0x206: {  	[hbm4b:s31+s14] =	stream.linear.scatter [tilespmem:s21], [sflag:$0x6], $0xC80, $0x38;
	[tilespmem:$0x18E50] =	vst v63  }
0x207: {  	s0 =	sadd.s32 s9, s0  }
0x208: {  	[hbm4b:s0+s14] =	stream.linear.scatter [tilespmem:s22], [sflag:$0x6], $0xC80, $0x38;
	[tilespmem:$0x18E50] =	vst v63  }
.LBB2_12:
0x209: {  	_ =	sfence.sel $0x180000  }
0x20a: {  	[bflag:$0x0] =	sbarrier.arrive $0xFFFF  }
0x20b: {  	_ =	strace $0x90000047  }
0x20c: {  	[bflag:$0x2] =	sbarrier.arrive $0xFFFF  }
0x20d: {  	s0 =	rddreg [dreg:$0xd]  }
0x20e: {  	s0 =	sadd.s32 @!p0 $0x100000, s0  }
0x20f: {  	[sflag:s0] =	ssyncadd.tile.s32 @!p0 $0x1;
	_ =	shalt  }
.Lfunc_end2:
_tile_overlayer_lowered:
.L_overlay_start_2:
0x210: {  	(tag) =	ssettag $0x2  }
0x211: {  	s0 =	rddreg [dreg:$0x0];
	s2 =	stileid.u32  }
0x212: {  	s1 =	rddreg [dreg:$0x1];
	p0 =	sne.s32 s2, $0x0  }
0x213: {  	s3 =	rddreg [dreg:$0x2];
	[bflag:$0x3] =	sbarrier.arrive $0xFFFF;
	s2 =	simm.s32 @!p0 $0x1C07  }
0x214: {  	[timem:s3], [sflag:s2] =	dma.local @!p0 [hbm:s0], s1  }
0x215: {  	s0 =	simm.s32 @!p0 $0x7  }
0x216: {  	_ =	swait.ge @!p0 [sflag:s0], s1  }
0x217: {  	s1 =	ssub.s32 @!p0 $0x0, s1;
	[sflag:s0] =	ssyncset.done @!p0 $0x0  }
0x218: {  	[sflag:s0] =	ssyncadd.s32 @!p0 s1  }
0x219: {  	[bflag:$0x3] =	sbarrier.arrive $0xFFFF  }
0x21a: {  	_ =	shalt  }

</sc_bundles>
